<compile_context>
chip_gen: v7x
topology: tpu7x:2x2x1
jax: 0.10.2.dev20260603
libtpu: 0.0.44.dev20260713+nightly
codegen_flags: <defaults>
</compile_context>

<pallas_src>
import jax
import jax.numpy as jnp
from jax import lax
from jax.experimental import pallas as pl
from jax.experimental.pallas import tpu as pltpu
from jax.experimental.pallas import tpu_sc as plsc

_NUM_EMB = 1000000
_D = 64
_B = 4096
_H = 50

_INFO = plsc.get_sparse_core_info()
_NC = _INFO.num_cores
_NS = _INFO.num_subcores
_NW = _NC * _NS
_TOTAL = _B * _H
_CH = 128
_NCH_TOT = _TOTAL // _CH
_NCH = _NCH_TOT // _NW
_NBUF = 5
_BC = _B // _CH
_C = 16384
_KSH = 30 * _C
_N2 = 32 * _C



def _tc_prep_body(a_ref, b_ref, out_ref):
  out_ref[...] = jnp.concatenate([a_ref[...].T, b_ref[...].T], axis=1)


def _tc_prep(tt):
  return pl.pallas_call(
      _tc_prep_body,
      grid=(_N2 // _C,),
      in_specs=[
          pl.BlockSpec((_D, _C), lambda i: (0, i)),
          pl.BlockSpec((_D, _C), lambda i: (0, i + _KSH // _C)),
      ],
      out_specs=pl.BlockSpec((_C, 2 * _D), lambda i: (i, 0)),
      out_shape=jax.ShapeDtypeStruct((_N2, 2 * _D), jnp.float32),
  )(tt, tt)



def _sc_body(idx_hbm, t2_hbm, out_hbm, idx2_v, *rest):
  gbufs = rest[:_NBUF]
  gsems = rest[_NBUF:2 * _NBUF]
  wsems = rest[2 * _NBUF:3 * _NBUF]

  wid = lax.axis_index("s") * _NC + lax.axis_index("c")
  k0 = wid * _NCH
  p0 = k0 // 8
  loc = k0 - p0 * 8

  pltpu.sync_copy(idx_hbm.at[pl.ds(p0, 7)], idx2_v)

  @pl.loop(0, 56)
  def _(t):
    r1 = t // 8
    r2 = t - r1 * 8
    for g in range(8):
      v = idx2_v[r1, r2, pl.ds(g * 16, 16)]
      hi = (v >= _KSH).astype(jnp.int32)
      idx2_v[r1, r2, pl.ds(g * 16, 16)] = v - hi * _KSH

  def rowsel(c):
    t = loc + c
    r1 = t // 8
    return r1, t - r1 * 8

  def start_gather(c, b):
    r1, r2 = rowsel(c)
    pltpu.async_copy(t2_hbm.at[idx2_v.at[r1, r2]], gbufs[b], gsems[b])

  def wait_gather(c, b):
    r1, r2 = rowsel(c)
    pltpu.make_async_copy(
        t2_hbm.at[idx2_v.at[r1, r2]], gbufs[b], gsems[b]).wait()

  def start_write(c, b):
    pltpu.async_copy(
        gbufs[b], out_hbm.at[pl.ds((k0 + c) * _CH, _CH)], wsems[b])

  def wait_write(c, b):
    pltpu.make_async_copy(
        gbufs[b], out_hbm.at[pl.ds((k0 + c) * _CH, _CH)], wsems[b]).wait()

  for b in range(_NBUF):
    start_gather(b, b)

  @pl.loop(0, _NCH - _NBUF, step=_NBUF)
  def _(i0):
    for b in range(_NBUF):
      i = i0 + b
      wait_gather(i, b)
      start_write(i, b)
      wait_write(i, b)
      start_gather(i + _NBUF, b)

  for b in range(_NBUF):
    i = _NCH - _NBUF + b
    wait_gather(i, b)
    start_write(i, b)
  for b in range(_NBUF):
    i = _NCH - _NBUF + b
    wait_write(i, b)


@jax.jit
def _run(idx, t2):
  mesh = plsc.VectorSubcoreMesh(core_axis_name="c", subcore_axis_name="s")
  scratch = (
      [pltpu.VMEM((7, 8, _CH), jnp.int32)]
      + [pltpu.VMEM((_CH, 2 * _D), jnp.float32) for _ in range(_NBUF)]
      + [pltpu.SemaphoreType.DMA for _ in range(2 * _NBUF)]
  )
  return pl.kernel(
      _sc_body,
      out_type=jax.ShapeDtypeStruct((_TOTAL, 2 * _D), jnp.float32),
      mesh=mesh,
      scratch_types=scratch,
      compiler_params=pltpu.CompilerParams(
          use_tc_tiling_on_sc=True, needs_layout_passes=False),
  )(idx, t2)



_SB = _B


def _tc_sel_body(raw_ref, hi_ref, out_ref):
  raw = raw_ref[...]
  low = raw[:, :_D].T
  high = raw[:, _D:].T
  mask = jnp.broadcast_to(hi_ref[...].reshape(1, _SB) != 0, (_D, _SB))
  out_ref[...] = jnp.where(mask, high, low).reshape(1, _D, _SB)


def _tc_select(raw, hi):
  nc = _B // _SB
  return pl.pallas_call(
      _tc_sel_body,
      grid=(_H, nc),
      in_specs=[
          pl.BlockSpec((_SB, 2 * _D), lambda h, c: (h * nc + c, 0)),
          pl.BlockSpec((1, 1, _SB), lambda h, c: (h * nc + c, 0, 0)),
      ],
      out_specs=pl.BlockSpec((1, _D, _SB), lambda h, c: (h, 0, c)),
      out_shape=jax.ShapeDtypeStruct((_H, _D, _B), jnp.float32),
  )(raw, hi)


def kernel(indices, table):
  idx_t = indices.T.astype(jnp.int32)
  idx = idx_t.reshape(_NCH_TOT // 8, 8, _CH)
  hi = (idx_t >= _KSH).astype(jnp.int32).reshape(_TOTAL // _SB, 1, _SB)
  t2 = _tc_prep(table.T)
  raw = _run(idx, t2)
  out = _tc_select(raw, hi)
  return out.transpose(2, 0, 1)

# --- scband reference (transcript-rebuilt; emitter-appended) ---
"""Pipeline reference for scband-differentiable-propositionalization-64080912056396 (READ-ONLY COPY).

The authoritative reference and input builder live on the scoring server;
editing this copy changes nothing except your own understanding.
"""

import jax, jax.numpy as jnp
import numpy as np

NUM_EMBEDDINGS = 1000000
EMBED_DIM = 64
BATCH = 4096
HIST = 50

def setup_inputs(seed: int = 0) -> dict:
    key = jax.random.key(seed)
    k_idx, k_tab = jax.random.split(key)
    indices = jax.random.randint(k_idx, (BATCH, HIST), 0, NUM_EMBEDDINGS, dtype=jnp.int64) if jax.config.jax_enable_x64 else jax.random.randint(k_idx, (BATCH, HIST), 0, NUM_EMBEDDINGS, dtype=jnp.int32)
    table = (jax.random.normal(k_tab, (NUM_EMBEDDINGS, EMBED_DIM), dtype=jnp.float32) * 0.02)
    return {"indices": indices, "table": table}

def reference(indices, table):
    # Faithful embedding lookup: gather rows of the fact/entity embedding table
    # by atom indices (as in DifferentiablePropositionalization's index-based
    # selection of entity/label/relation embeddings, e.g. all_objects[random_z_idx]).
    emb = jnp.take(table, indices, axis=0)  # [BATCH, HIST, EMBED_DIM]
    return emb

if __name__ == "__main__":
    import jax
    _d = setup_inputs()
    print(jax.jit(kernel)(*tuple(_d.values())))

</pallas_src>

<mosaic_0001>
#map = affine_map<(d0, d1) -> (0, 0, 0)>
#map1 = affine_map<(d0, d1) -> (0, 0)>
module attributes {stable_mosaic.version = 14 : i64} {
  func.func @_sc_body(%arg0: i32, %arg1: i32, %arg2: memref<200x8x128xi32, #tpu.memory_space<hbm>>, %arg3: memref<524288x128xf32, #tpu.memory_space<hbm>>, %arg4: memref<204800x128xf32, #tpu.memory_space<hbm>>, %arg5: memref<7x8x128xi32, #tpu.memory_space<vmem>>, %arg6: memref<128x128xf32, #tpu.memory_space<vmem>>, %arg7: memref<128x128xf32, #tpu.memory_space<vmem>>, %arg8: memref<128x128xf32, #tpu.memory_space<vmem>>, %arg9: memref<128x128xf32, #tpu.memory_space<vmem>>, %arg10: memref<128x128xf32, #tpu.memory_space<vmem>>, %arg11: memref<!tpu.dma_semaphore, #tpu.memory_space<semaphore_mem>>, %arg12: memref<!tpu.dma_semaphore, #tpu.memory_space<semaphore_mem>>, %arg13: memref<!tpu.dma_semaphore, #tpu.memory_space<semaphore_mem>>, %arg14: memref<!tpu.dma_semaphore, #tpu.memory_space<semaphore_mem>>, %arg15: memref<!tpu.dma_semaphore, #tpu.memory_space<semaphore_mem>>, %arg16: memref<!tpu.dma_semaphore, #tpu.memory_space<semaphore_mem>>, %arg17: memref<!tpu.dma_semaphore, #tpu.memory_space<semaphore_mem>>, %arg18: memref<!tpu.dma_semaphore, #tpu.memory_space<semaphore_mem>>, %arg19: memref<!tpu.dma_semaphore, #tpu.memory_space<semaphore_mem>>, %arg20: memref<!tpu.dma_semaphore, #tpu.memory_space<semaphore_mem>>) attributes {dimension_semantics = [#tpu.dimension_semantics<core_parallel>, #tpu.dimension_semantics<subcore_parallel>], iteration_bounds = array<i64: 2, 16>, scalar_prefetch = 0 : i64, scratch_operands = 16 : i64, tpu.core_type = #tpu.core_type<sc_vector_subcore>, window_params = [{transform_indices = #map}, {transform_indices = #map1}, {transform_indices = #map1}]} {
    %mul3A = arith.constant 2 : i32
    %mul3A_0 = arith.muli %arg1, %mul3A : i32
    %add3A = arith.addi %mul3A_0, %arg0 : i32
    %mul3A_1 = arith.constant 50 : i32
    %mul3A_2 = arith.muli %add3A, %mul3A_1 : i32
    %jit3A = arith.constant 8 : i32
    %div3A = arith.divsi %mul3A_2, %jit3A : i32
    %sign3A = arith.constant 0 : i32
    %sign3A_3 = arith.cmpi sgt, %mul3A_2, %sign3A : i32
    %sign3A_4 = arith.extui %sign3A_3 : i1 to i32
    %sign3A_5 = arith.constant 0 : i32
    %sign3A_6 = arith.cmpi slt, %mul3A_2, %sign3A_5 : i32
    %sign3A_7 = arith.extui %sign3A_6 : i1 to i32
    %sign3A_8 = arith.subi %sign3A_4, %sign3A_7 : i32
    %sign3A_9 = arith.constant 0 : i32
    %sign3A_10 = arith.cmpi sgt, %jit3A, %sign3A_9 : i32
    %sign3A_11 = arith.extui %sign3A_10 : i1 to i32
    %sign3A_12 = arith.constant 0 : i32
    %sign3A_13 = arith.cmpi slt, %jit3A, %sign3A_12 : i32
    %sign3A_14 = arith.extui %sign3A_13 : i1 to i32
    %sign3A_15 = arith.subi %sign3A_11, %sign3A_14 : i32
    %ne3A = arith.cmpi ne, %sign3A_8, %sign3A_15 : i32
    %rem3A = arith.remsi %mul3A_2, %jit3A : i32
    %ne3A_16 = arith.constant 0 : i32
    %ne3A_17 = arith.cmpi ne, %rem3A, %ne3A_16 : i32
    %and3A = arith.andi %ne3A, %ne3A_17 : i1
    %sub3A = arith.constant 1 : i32
    %sub3A_18 = arith.subi %div3A, %sub3A : i32
    %select_n3A = arith.select %and3A, %sub3A_18, %div3A : i32
    %mul3A_19 = arith.constant 8 : i32
    %mul3A_20 = arith.muli %select_n3A, %mul3A_19 : i32
    %sub3A_21 = arith.subi %mul3A_2, %mul3A_20 : i32
    "tpu.region"() ({
      %run_scoped3A = tpu.sem_alloc : memref<!tpu.dma_semaphore, #tpu.memory_space<semaphore_mem>>
      %dma_start3A_459 = arith.constant 0 : i32
      %dma_start3A_460 = arith.constant 0 : i32
      %dma_start3A_461 = tpu.memref_slice %arg2[%select_n3A, %dma_start3A_459, %dma_start3A_460] : memref<200x8x128xi32, #tpu.memory_space<hbm>> -> memref<7x8x128xi32, #tpu.memory_space<hbm>>
      %dma_start3A_462 = arith.constant 0 : i32
      %dma_start3A_463 = arith.constant 0 : i32
      %dma_start3A_464 = tpu.memref_slice %arg2[%select_n3A, %dma_start3A_462, %dma_start3A_463] : memref<200x8x128xi32, #tpu.memory_space<hbm>> -> memref<7x8x128xi32, #tpu.memory_space<hbm>>
      tpu.enqueue_dma source(%dma_start3A_464 : memref<7x8x128xi32, #tpu.memory_space<hbm>>) target(%arg5 : memref<7x8x128xi32, #tpu.memory_space<vmem>>) target_semaphore(%run_scoped3A : memref<!tpu.dma_semaphore, #tpu.memory_space<semaphore_mem>>)
      %dma_wait3A_465 = arith.constant 0 : i32
      %dma_wait3A_466 = arith.constant 0 : i32
      %dma_wait3A_467 = tpu.memref_slice %arg2[%select_n3A, %dma_wait3A_465, %dma_wait3A_466] : memref<200x8x128xi32, #tpu.memory_space<hbm>> -> memref<7x8x128xi32, #tpu.memory_space<hbm>>
      %dma_wait3A_468 = arith.constant 0 : i32
      %dma_wait3A_469 = arith.constant 0 : i32
      %dma_wait3A_470 = tpu.memref_slice %arg2[%select_n3A, %dma_wait3A_468, %dma_wait3A_469] : memref<200x8x128xi32, #tpu.memory_space<hbm>> -> memref<7x8x128xi32, #tpu.memory_space<hbm>>
      tpu.wait_dma2 semaphore(%run_scoped3A : memref<!tpu.dma_semaphore, #tpu.memory_space<semaphore_mem>>) src(%dma_wait3A_470 : memref<7x8x128xi32, #tpu.memory_space<hbm>>) dst(%arg5 : memref<7x8x128xi32, #tpu.memory_space<vmem>>)
      tpu.yield
    }) : () -> ()
    %scan3A = arith.constant 0 : i32
    %scan3A_22 = arith.constant 56 : i32
    %scan3A_23 = arith.addi %scan3A, %scan3A_22 : i32
    %scan3A_24 = arith.constant 1 : i32
    scf.for %scan3A_459 = %scan3A to %scan3A_23 step %scan3A_24  : i32 {
      %mul3A_460 = arith.constant 1 : i32
      %mul3A_461 = arith.muli %scan3A_459, %mul3A_460 : i32
      %add3A_462 = arith.constant 0 : i32
      %add3A_463 = arith.addi %add3A_462, %mul3A_461 : i32
      %jit3A_464 = arith.constant 8 : i32
      %div3A_465 = arith.divsi %add3A_463, %jit3A_464 : i32
      %sign3A_466 = arith.constant 0 : i32
      %sign3A_467 = arith.cmpi sgt, %add3A_463, %sign3A_466 : i32
      %sign3A_468 = arith.extui %sign3A_467 : i1 to i32
      %sign3A_469 = arith.constant 0 : i32
      %sign3A_470 = arith.cmpi slt, %add3A_463, %sign3A_469 : i32
      %sign3A_471 = arith.extui %sign3A_470 : i1 to i32
      %sign3A_472 = arith.subi %sign3A_468, %sign3A_471 : i32
      %sign3A_473 = arith.constant 0 : i32
      %sign3A_474 = arith.cmpi sgt, %jit3A_464, %sign3A_473 : i32
      %sign3A_475 = arith.extui %sign3A_474 : i1 to i32
      %sign3A_476 = arith.constant 0 : i32
      %sign3A_477 = arith.cmpi slt, %jit3A_464, %sign3A_476 : i32
      %sign3A_478 = arith.extui %sign3A_477 : i1 to i32
      %sign3A_479 = arith.subi %sign3A_475, %sign3A_478 : i32
      %ne3A_480 = arith.cmpi ne, %sign3A_472, %sign3A_479 : i32
      %rem3A_481 = arith.remsi %add3A_463, %jit3A_464 : i32
      %ne3A_482 = arith.constant 0 : i32
      %ne3A_483 = arith.cmpi ne, %rem3A_481, %ne3A_482 : i32
      %and3A_484 = arith.andi %ne3A_480, %ne3A_483 : i1
      %sub3A_485 = arith.constant 1 : i32
      %sub3A_486 = arith.subi %div3A_465, %sub3A_485 : i32
      %select_n3A_487 = arith.select %and3A_484, %sub3A_486, %div3A_465 : i32
      %mul3A_488 = arith.constant 8 : i32
      %mul3A_489 = arith.muli %select_n3A_487, %mul3A_488 : i32
      %sub3A_490 = arith.subi %add3A_463, %mul3A_489 : i32
      %get3A = arith.index_cast %select_n3A_487 : i32 to index
      %get3A_491 = arith.index_cast %sub3A_490 : i32 to index
      %get3A_492 = arith.constant 0 : index
      %get3A_493 = tpu.vector_load %arg5[%get3A, %get3A_491, %get3A_492] {strides = array<i32>} : memref<7x8x128xi32, #tpu.memory_space<vmem>>, vector<16xi32>,
      %ge3A = arith.constant 491520 : i32
      %ge3A_494 = vector.broadcast %ge3A : i32 to vector<16xi32>
      %ge3A_495 = arith.cmpi sge, %get3A_493, %ge3A_494 : vector<16xi32>
      %convert_element_type3A = arith.extui %ge3A_495 : vector<16xi1> to vector<16xi32>
      %mul3A_496 = arith.constant 491520 : i32
      %mul3A_497 = vector.broadcast %mul3A_496 : i32 to vector<16xi32>
      %mul3A_498 = arith.muli %convert_element_type3A, %mul3A_497 : vector<16xi32>
      %sub3A_499 = arith.subi %get3A_493, %mul3A_498 : vector<16xi32>
      %swap3A = arith.index_cast %select_n3A_487 : i32 to index
      %swap3A_500 = arith.index_cast %sub3A_490 : i32 to index
      %swap3A_501 = arith.constant 0 : index
      %swap3A_502 = tpu.vector_load %arg5[%swap3A, %swap3A_500, %swap3A_501] {strides = array<i32>} : memref<7x8x128xi32, #tpu.memory_space<vmem>>, vector<16xi32>,
      tpu.vector_store %arg5[%swap3A, %swap3A_500, %swap3A_501], %sub3A_499 {strides = array<i32>} : memref<7x8x128xi32, #tpu.memory_space<vmem>>, vector<16xi32>,
      %get3A_503 = arith.index_cast %select_n3A_487 : i32 to index
      %get3A_504 = arith.index_cast %sub3A_490 : i32 to index
      %get3A_505 = arith.constant 16 : index
      %get3A_506 = tpu.vector_load %arg5[%get3A_503, %get3A_504, %get3A_505] {strides = array<i32>} : memref<7x8x128xi32, #tpu.memory_space<vmem>>, vector<16xi32>,
      %ge3A_507 = arith.constant 491520 : i32
      %ge3A_508 = vector.broadcast %ge3A_507 : i32 to vector<16xi32>
      %ge3A_509 = arith.cmpi sge, %get3A_506, %ge3A_508 : vector<16xi32>
      %convert_element_type3A_510 = arith.extui %ge3A_509 : vector<16xi1> to vector<16xi32>
      %mul3A_511 = arith.constant 491520 : i32
      %mul3A_512 = vector.broadcast %mul3A_511 : i32 to vector<16xi32>
      %mul3A_513 = arith.muli %convert_element_type3A_510, %mul3A_512 : vector<16xi32>
      %sub3A_514 = arith.subi %get3A_506, %mul3A_513 : vector<16xi32>
      %swap3A_515 = arith.index_cast %select_n3A_487 : i32 to index
      %swap3A_516 = arith.index_cast %sub3A_490 : i32 to index
      %swap3A_517 = arith.constant 16 : index
      %swap3A_518 = tpu.vector_load %arg5[%swap3A_515, %swap3A_516, %swap3A_517] {strides = array<i32>} : memref<7x8x128xi32, #tpu.memory_space<vmem>>, vector<16xi32>,
      tpu.vector_store %arg5[%swap3A_515, %swap3A_516, %swap3A_517], %sub3A_514 {strides = array<i32>} : memref<7x8x128xi32, #tpu.memory_space<vmem>>, vector<16xi32>,
      %get3A_519 = arith.index_cast %select_n3A_487 : i32 to index
      %get3A_520 = arith.index_cast %sub3A_490 : i32 to index
      %get3A_521 = arith.constant 32 : index
      %get3A_522 = tpu.vector_load %arg5[%get3A_519, %get3A_520, %get3A_521] {strides = array<i32>} : memref<7x8x128xi32, #tpu.memory_space<vmem>>, vector<16xi32>,
      %ge3A_523 = arith.constant 491520 : i32
      %ge3A_524 = vector.broadcast %ge3A_523 : i32 to vector<16xi32>
      %ge3A_525 = arith.cmpi sge, %get3A_522, %ge3A_524 : vector<16xi32>
      %convert_element_type3A_526 = arith.extui %ge3A_525 : vector<16xi1> to vector<16xi32>
      %mul3A_527 = arith.constant 491520 : i32
      %mul3A_528 = vector.broadcast %mul3A_527 : i32 to vector<16xi32>
      %mul3A_529 = arith.muli %convert_element_type3A_526, %mul3A_528 : vector<16xi32>
      %sub3A_530 = arith.subi %get3A_522, %mul3A_529 : vector<16xi32>
      %swap3A_531 = arith.index_cast %select_n3A_487 : i32 to index
      %swap3A_532 = arith.index_cast %sub3A_490 : i32 to index
      %swap3A_533 = arith.constant 32 : index
      %swap3A_534 = tpu.vector_load %arg5[%swap3A_531, %swap3A_532, %swap3A_533] {strides = array<i32>} : memref<7x8x128xi32, #tpu.memory_space<vmem>>, vector<16xi32>,
      tpu.vector_store %arg5[%swap3A_531, %swap3A_532, %swap3A_533], %sub3A_530 {strides = array<i32>} : memref<7x8x128xi32, #tpu.memory_space<vmem>>, vector<16xi32>,
      %get3A_535 = arith.index_cast %select_n3A_487 : i32 to index
      %get3A_536 = arith.index_cast %sub3A_490 : i32 to index
      %get3A_537 = arith.constant 48 : index
      %get3A_538 = tpu.vector_load %arg5[%get3A_535, %get3A_536, %get3A_537] {strides = array<i32>} : memref<7x8x128xi32, #tpu.memory_space<vmem>>, vector<16xi32>,
      %ge3A_539 = arith.constant 491520 : i32
      %ge3A_540 = vector.broadcast %ge3A_539 : i32 to vector<16xi32>
      %ge3A_541 = arith.cmpi sge, %get3A_538, %ge3A_540 : vector<16xi32>
      %convert_element_type3A_542 = arith.extui %ge3A_541 : vector<16xi1> to vector<16xi32>
      %mul3A_543 = arith.constant 491520 : i32
      %mul3A_544 = vector.broadcast %mul3A_543 : i32 to vector<16xi32>
      %mul3A_545 = arith.muli %convert_element_type3A_542, %mul3A_544 : vector<16xi32>
      %sub3A_546 = arith.subi %get3A_538, %mul3A_545 : vector<16xi32>
      %swap3A_547 = arith.index_cast %select_n3A_487 : i32 to index
      %swap3A_548 = arith.index_cast %sub3A_490 : i32 to index
      %swap3A_549 = arith.constant 48 : index
      %swap3A_550 = tpu.vector_load %arg5[%swap3A_547, %swap3A_548, %swap3A_549] {strides = array<i32>} : memref<7x8x128xi32, #tpu.memory_space<vmem>>, vector<16xi32>,
      tpu.vector_store %arg5[%swap3A_547, %swap3A_548, %swap3A_549], %sub3A_546 {strides = array<i32>} : memref<7x8x128xi32, #tpu.memory_space<vmem>>, vector<16xi32>,
      %get3A_551 = arith.index_cast %select_n3A_487 : i32 to index
      %get3A_552 = arith.index_cast %sub3A_490 : i32 to index
      %get3A_553 = arith.constant 64 : index
      %get3A_554 = tpu.vector_load %arg5[%get3A_551, %get3A_552, %get3A_553] {strides = array<i32>} : memref<7x8x128xi32, #tpu.memory_space<vmem>>, vector<16xi32>,
      %ge3A_555 = arith.constant 491520 : i32
      %ge3A_556 = vector.broadcast %ge3A_555 : i32 to vector<16xi32>
      %ge3A_557 = arith.cmpi sge, %get3A_554, %ge3A_556 : vector<16xi32>
      %convert_element_type3A_558 = arith.extui %ge3A_557 : vector<16xi1> to vector<16xi32>
      %mul3A_559 = arith.constant 491520 : i32
      %mul3A_560 = vector.broadcast %mul3A_559 : i32 to vector<16xi32>
      %mul3A_561 = arith.muli %convert_element_type3A_558, %mul3A_560 : vector<16xi32>
      %sub3A_562 = arith.subi %get3A_554, %mul3A_561 : vector<16xi32>
      %swap3A_563 = arith.index_cast %select_n3A_487 : i32 to index
      %swap3A_564 = arith.index_cast %sub3A_490 : i32 to index
      %swap3A_565 = arith.constant 64 : index
      %swap3A_566 = tpu.vector_load %arg5[%swap3A_563, %swap3A_564, %swap3A_565] {strides = array<i32>} : memref<7x8x128xi32, #tpu.memory_space<vmem>>, vector<16xi32>,
      tpu.vector_store %arg5[%swap3A_563, %swap3A_564, %swap3A_565], %sub3A_562 {strides = array<i32>} : memref<7x8x128xi32, #tpu.memory_space<vmem>>, vector<16xi32>,
      %get3A_567 = arith.index_cast %select_n3A_487 : i32 to index
      %get3A_568 = arith.index_cast %sub3A_490 : i32 to index
      %get3A_569 = arith.constant 80 : index
      %get3A_570 = tpu.vector_load %arg5[%get3A_567, %get3A_568, %get3A_569] {strides = array<i32>} : memref<7x8x128xi32, #tpu.memory_space<vmem>>, vector<16xi32>,
      %ge3A_571 = arith.constant 491520 : i32
      %ge3A_572 = vector.broadcast %ge3A_571 : i32 to vector<16xi32>
      %ge3A_573 = arith.cmpi sge, %get3A_570, %ge3A_572 : vector<16xi32>
      %convert_element_type3A_574 = arith.extui %ge3A_573 : vector<16xi1> to vector<16xi32>
      %mul3A_575 = arith.constant 491520 : i32
      %mul3A_576 = vector.broadcast %mul3A_575 : i32 to vector<16xi32>
      %mul3A_577 = arith.muli %convert_element_type3A_574, %mul3A_576 : vector<16xi32>
      %sub3A_578 = arith.subi %get3A_570, %mul3A_577 : vector<16xi32>
      %swap3A_579 = arith.index_cast %select_n3A_487 : i32 to index
      %swap3A_580 = arith.index_cast %sub3A_490 : i32 to index
      %swap3A_581 = arith.constant 80 : index
      %swap3A_582 = tpu.vector_load %arg5[%swap3A_579, %swap3A_580, %swap3A_581] {strides = array<i32>} : memref<7x8x128xi32, #tpu.memory_space<vmem>>, vector<16xi32>,
      tpu.vector_store %arg5[%swap3A_579, %swap3A_580, %swap3A_581], %sub3A_578 {strides = array<i32>} : memref<7x8x128xi32, #tpu.memory_space<vmem>>, vector<16xi32>,
      %get3A_583 = arith.index_cast %select_n3A_487 : i32 to index
      %get3A_584 = arith.index_cast %sub3A_490 : i32 to index
      %get3A_585 = arith.constant 96 : index
      %get3A_586 = tpu.vector_load %arg5[%get3A_583, %get3A_584, %get3A_585] {strides = array<i32>} : memref<7x8x128xi32, #tpu.memory_space<vmem>>, vector<16xi32>,
      %ge3A_587 = arith.constant 491520 : i32
      %ge3A_588 = vector.broadcast %ge3A_587 : i32 to vector<16xi32>
      %ge3A_589 = arith.cmpi sge, %get3A_586, %ge3A_588 : vector<16xi32>
      %convert_element_type3A_590 = arith.extui %ge3A_589 : vector<16xi1> to vector<16xi32>
      %mul3A_591 = arith.constant 491520 : i32
      %mul3A_592 = vector.broadcast %mul3A_591 : i32 to vector<16xi32>
      %mul3A_593 = arith.muli %convert_element_type3A_590, %mul3A_592 : vector<16xi32>
      %sub3A_594 = arith.subi %get3A_586, %mul3A_593 : vector<16xi32>
      %swap3A_595 = arith.index_cast %select_n3A_487 : i32 to index
      %swap3A_596 = arith.index_cast %sub3A_490 : i32 to index
      %swap3A_597 = arith.constant 96 : index
      %swap3A_598 = tpu.vector_load %arg5[%swap3A_595, %swap3A_596, %swap3A_597] {strides = array<i32>} : memref<7x8x128xi32, #tpu.memory_space<vmem>>, vector<16xi32>,
      tpu.vector_store %arg5[%swap3A_595, %swap3A_596, %swap3A_597], %sub3A_594 {strides = array<i32>} : memref<7x8x128xi32, #tpu.memory_space<vmem>>, vector<16xi32>,
      %get3A_599 = arith.index_cast %select_n3A_487 : i32 to index
      %get3A_600 = arith.index_cast %sub3A_490 : i32 to index
      %get3A_601 = arith.constant 112 : index
      %get3A_602 = tpu.vector_load %arg5[%get3A_599, %get3A_600, %get3A_601] {strides = array<i32>} : memref<7x8x128xi32, #tpu.memory_space<vmem>>, vector<16xi32>,
      %ge3A_603 = arith.constant 491520 : i32
      %ge3A_604 = vector.broadcast %ge3A_603 : i32 to vector<16xi32>
      %ge3A_605 = arith.cmpi sge, %get3A_602, %ge3A_604 : vector<16xi32>
      %convert_element_type3A_606 = arith.extui %ge3A_605 : vector<16xi1> to vector<16xi32>
      %mul3A_607 = arith.constant 491520 : i32
      %mul3A_608 = vector.broadcast %mul3A_607 : i32 to vector<16xi32>
      %mul3A_609 = arith.muli %convert_element_type3A_606, %mul3A_608 : vector<16xi32>
      %sub3A_610 = arith.subi %get3A_602, %mul3A_609 : vector<16xi32>
      %swap3A_611 = arith.index_cast %select_n3A_487 : i32 to index
      %swap3A_612 = arith.index_cast %sub3A_490 : i32 to index
      %swap3A_613 = arith.constant 112 : index
      %swap3A_614 = tpu.vector_load %arg5[%swap3A_611, %swap3A_612, %swap3A_613] {strides = array<i32>} : memref<7x8x128xi32, #tpu.memory_space<vmem>>, vector<16xi32>,
      tpu.vector_store %arg5[%swap3A_611, %swap3A_612, %swap3A_613], %sub3A_610 {strides = array<i32>} : memref<7x8x128xi32, #tpu.memory_space<vmem>>, vector<16xi32>,
    }
    %scan3A_25 = arith.constant 56 : i32
    %add3A_26 = arith.constant 0 : i32
    %add3A_27 = arith.addi %sub3A_21, %add3A_26 : i32
    %jit3A_28 = arith.constant 8 : i32
    %div3A_29 = arith.divsi %add3A_27, %jit3A_28 : i32
    %sign3A_30 = arith.constant 0 : i32
    %sign3A_31 = arith.cmpi sgt, %add3A_27, %sign3A_30 : i32
    %sign3A_32 = arith.extui %sign3A_31 : i1 to i32
    %sign3A_33 = arith.constant 0 : i32
    %sign3A_34 = arith.cmpi slt, %add3A_27, %sign3A_33 : i32
    %sign3A_35 = arith.extui %sign3A_34 : i1 to i32
    %sign3A_36 = arith.subi %sign3A_32, %sign3A_35 : i32
    %sign3A_37 = arith.constant 0 : i32
    %sign3A_38 = arith.cmpi sgt, %jit3A_28, %sign3A_37 : i32
    %sign3A_39 = arith.extui %sign3A_38 : i1 to i32
    %sign3A_40 = arith.constant 0 : i32
    %sign3A_41 = arith.cmpi slt, %jit3A_28, %sign3A_40 : i32
    %sign3A_42 = arith.extui %sign3A_41 : i1 to i32
    %sign3A_43 = arith.subi %sign3A_39, %sign3A_42 : i32
    %ne3A_44 = arith.cmpi ne, %sign3A_36, %sign3A_43 : i32
    %rem3A_45 = arith.remsi %add3A_27, %jit3A_28 : i32
    %ne3A_46 = arith.constant 0 : i32
    %ne3A_47 = arith.cmpi ne, %rem3A_45, %ne3A_46 : i32
    %and3A_48 = arith.andi %ne3A_44, %ne3A_47 : i1
    %sub3A_49 = arith.constant 1 : i32
    %sub3A_50 = arith.subi %div3A_29, %sub3A_49 : i32
    %select_n3A_51 = arith.select %and3A_48, %sub3A_50, %div3A_29 : i32
    %mul3A_52 = arith.constant 8 : i32
    %mul3A_53 = arith.muli %select_n3A_51, %mul3A_52 : i32
    %sub3A_54 = arith.subi %add3A_27, %mul3A_53 : i32
    %dma_start3A = arith.constant 0 : i32
    %dma_start3A_55 = tpu.memref_slice %arg5[%select_n3A_51, %sub3A_54, %dma_start3A] : memref<7x8x128xi32, #tpu.memory_space<vmem>> -> memref<1x1x128xi32, #tpu.memory_space<vmem>>
    %dma_start3A_56 = tpu.memref_squeeze %dma_start3A_55 : memref<1x1x128xi32, #tpu.memory_space<vmem>> -> memref<128xi32, #tpu.memory_space<vmem>>
    %dma_start3A_57 = arith.constant 0 : i32
    %dma_start3A_58 = arith.constant 0 : i32
    %dma_start3A_59 = tpu.memref_slice %arg3[%dma_start3A_57, %dma_start3A_58] : memref<524288x128xf32, #tpu.memory_space<hbm>> -> memref<524288x128xf32, #tpu.memory_space<hbm>>
    tpu.enqueue_indirect_dma source(%dma_start3A_59 : memref<524288x128xf32, #tpu.memory_space<hbm>>) target(%arg6 : memref<128x128xf32, #tpu.memory_space<vmem>>) offsets(%dma_start3A_56 : memref<128xi32, #tpu.memory_space<vmem>>) semaphore(%arg11 : memref<!tpu.dma_semaphore, #tpu.memory_space<semaphore_mem>>)
    %add3A_60 = arith.constant 1 : i32
    %add3A_61 = arith.addi %sub3A_21, %add3A_60 : i32
    %jit3A_62 = arith.constant 8 : i32
    %div3A_63 = arith.divsi %add3A_61, %jit3A_62 : i32
    %sign3A_64 = arith.constant 0 : i32
    %sign3A_65 = arith.cmpi sgt, %add3A_61, %sign3A_64 : i32
    %sign3A_66 = arith.extui %sign3A_65 : i1 to i32
    %sign3A_67 = arith.constant 0 : i32
    %sign3A_68 = arith.cmpi slt, %add3A_61, %sign3A_67 : i32
    %sign3A_69 = arith.extui %sign3A_68 : i1 to i32
    %sign3A_70 = arith.subi %sign3A_66, %sign3A_69 : i32
    %sign3A_71 = arith.constant 0 : i32
    %sign3A_72 = arith.cmpi sgt, %jit3A_62, %sign3A_71 : i32
    %sign3A_73 = arith.extui %sign3A_72 : i1 to i32
    %sign3A_74 = arith.constant 0 : i32
    %sign3A_75 = arith.cmpi slt, %jit3A_62, %sign3A_74 : i32
    %sign3A_76 = arith.extui %sign3A_75 : i1 to i32
    %sign3A_77 = arith.subi %sign3A_73, %sign3A_76 : i32
    %ne3A_78 = arith.cmpi ne, %sign3A_70, %sign3A_77 : i32
    %rem3A_79 = arith.remsi %add3A_61, %jit3A_62 : i32
    %ne3A_80 = arith.constant 0 : i32
    %ne3A_81 = arith.cmpi ne, %rem3A_79, %ne3A_80 : i32
    %and3A_82 = arith.andi %ne3A_78, %ne3A_81 : i1
    %sub3A_83 = arith.constant 1 : i32
    %sub3A_84 = arith.subi %div3A_63, %sub3A_83 : i32
    %select_n3A_85 = arith.select %and3A_82, %sub3A_84, %div3A_63 : i32
    %mul3A_86 = arith.constant 8 : i32
    %mul3A_87 = arith.muli %select_n3A_85, %mul3A_86 : i32
    %sub3A_88 = arith.subi %add3A_61, %mul3A_87 : i32
    %dma_start3A_89 = arith.constant 0 : i32
    %dma_start3A_90 = tpu.memref_slice %arg5[%select_n3A_85, %sub3A_88, %dma_start3A_89] : memref<7x8x128xi32, #tpu.memory_space<vmem>> -> memref<1x1x128xi32, #tpu.memory_space<vmem>>
    %dma_start3A_91 = tpu.memref_squeeze %dma_start3A_90 : memref<1x1x128xi32, #tpu.memory_space<vmem>> -> memref<128xi32, #tpu.memory_space<vmem>>
    %dma_start3A_92 = arith.constant 0 : i32
    %dma_start3A_93 = arith.constant 0 : i32
    %dma_start3A_94 = tpu.memref_slice %arg3[%dma_start3A_92, %dma_start3A_93] : memref<524288x128xf32, #tpu.memory_space<hbm>> -> memref<524288x128xf32, #tpu.memory_space<hbm>>
    tpu.enqueue_indirect_dma source(%dma_start3A_94 : memref<524288x128xf32, #tpu.memory_space<hbm>>) target(%arg7 : memref<128x128xf32, #tpu.memory_space<vmem>>) offsets(%dma_start3A_91 : memref<128xi32, #tpu.memory_space<vmem>>) semaphore(%arg12 : memref<!tpu.dma_semaphore, #tpu.memory_space<semaphore_mem>>)
    %add3A_95 = arith.constant 2 : i32
    %add3A_96 = arith.addi %sub3A_21, %add3A_95 : i32
    %jit3A_97 = arith.constant 8 : i32
    %div3A_98 = arith.divsi %add3A_96, %jit3A_97 : i32
    %sign3A_99 = arith.constant 0 : i32
    %sign3A_100 = arith.cmpi sgt, %add3A_96, %sign3A_99 : i32
    %sign3A_101 = arith.extui %sign3A_100 : i1 to i32
    %sign3A_102 = arith.constant 0 : i32
    %sign3A_103 = arith.cmpi slt, %add3A_96, %sign3A_102 : i32
    %sign3A_104 = arith.extui %sign3A_103 : i1 to i32
    %sign3A_105 = arith.subi %sign3A_101, %sign3A_104 : i32
    %sign3A_106 = arith.constant 0 : i32
    %sign3A_107 = arith.cmpi sgt, %jit3A_97, %sign3A_106 : i32
    %sign3A_108 = arith.extui %sign3A_107 : i1 to i32
    %sign3A_109 = arith.constant 0 : i32
    %sign3A_110 = arith.cmpi slt, %jit3A_97, %sign3A_109 : i32
    %sign3A_111 = arith.extui %sign3A_110 : i1 to i32
    %sign3A_112 = arith.subi %sign3A_108, %sign3A_111 : i32
    %ne3A_113 = arith.cmpi ne, %sign3A_105, %sign3A_112 : i32
    %rem3A_114 = arith.remsi %add3A_96, %jit3A_97 : i32
    %ne3A_115 = arith.constant 0 : i32
    %ne3A_116 = arith.cmpi ne, %rem3A_114, %ne3A_115 : i32
    %and3A_117 = arith.andi %ne3A_113, %ne3A_116 : i1
    %sub3A_118 = arith.constant 1 : i32
    %sub3A_119 = arith.subi %div3A_98, %sub3A_118 : i32
    %select_n3A_120 = arith.select %and3A_117, %sub3A_119, %div3A_98 : i32
    %mul3A_121 = arith.constant 8 : i32
    %mul3A_122 = arith.muli %select_n3A_120, %mul3A_121 : i32
    %sub3A_123 = arith.subi %add3A_96, %mul3A_122 : i32
    %dma_start3A_124 = arith.constant 0 : i32
    %dma_start3A_125 = tpu.memref_slice %arg5[%select_n3A_120, %sub3A_123, %dma_start3A_124] : memref<7x8x128xi32, #tpu.memory_space<vmem>> -> memref<1x1x128xi32, #tpu.memory_space<vmem>>
    %dma_start3A_126 = tpu.memref_squeeze %dma_start3A_125 : memref<1x1x128xi32, #tpu.memory_space<vmem>> -> memref<128xi32, #tpu.memory_space<vmem>>
    %dma_start3A_127 = arith.constant 0 : i32
    %dma_start3A_128 = arith.constant 0 : i32
    %dma_start3A_129 = tpu.memref_slice %arg3[%dma_start3A_127, %dma_start3A_128] : memref<524288x128xf32, #tpu.memory_space<hbm>> -> memref<524288x128xf32, #tpu.memory_space<hbm>>
    tpu.enqueue_indirect_dma source(%dma_start3A_129 : memref<524288x128xf32, #tpu.memory_space<hbm>>) target(%arg8 : memref<128x128xf32, #tpu.memory_space<vmem>>) offsets(%dma_start3A_126 : memref<128xi32, #tpu.memory_space<vmem>>) semaphore(%arg13 : memref<!tpu.dma_semaphore, #tpu.memory_space<semaphore_mem>>)
    %add3A_130 = arith.constant 3 : i32
    %add3A_131 = arith.addi %sub3A_21, %add3A_130 : i32
    %jit3A_132 = arith.constant 8 : i32
    %div3A_133 = arith.divsi %add3A_131, %jit3A_132 : i32
    %sign3A_134 = arith.constant 0 : i32
    %sign3A_135 = arith.cmpi sgt, %add3A_131, %sign3A_134 : i32
    %sign3A_136 = arith.extui %sign3A_135 : i1 to i32
    %sign3A_137 = arith.constant 0 : i32
    %sign3A_138 = arith.cmpi slt, %add3A_131, %sign3A_137 : i32
    %sign3A_139 = arith.extui %sign3A_138 : i1 to i32
    %sign3A_140 = arith.subi %sign3A_136, %sign3A_139 : i32
    %sign3A_141 = arith.constant 0 : i32
    %sign3A_142 = arith.cmpi sgt, %jit3A_132, %sign3A_141 : i32
    %sign3A_143 = arith.extui %sign3A_142 : i1 to i32
    %sign3A_144 = arith.constant 0 : i32
    %sign3A_145 = arith.cmpi slt, %jit3A_132, %sign3A_144 : i32
    %sign3A_146 = arith.extui %sign3A_145 : i1 to i32
    %sign3A_147 = arith.subi %sign3A_143, %sign3A_146 : i32
    %ne3A_148 = arith.cmpi ne, %sign3A_140, %sign3A_147 : i32
    %rem3A_149 = arith.remsi %add3A_131, %jit3A_132 : i32
    %ne3A_150 = arith.constant 0 : i32
    %ne3A_151 = arith.cmpi ne, %rem3A_149, %ne3A_150 : i32
    %and3A_152 = arith.andi %ne3A_148, %ne3A_151 : i1
    %sub3A_153 = arith.constant 1 : i32
    %sub3A_154 = arith.subi %div3A_133, %sub3A_153 : i32
    %select_n3A_155 = arith.select %and3A_152, %sub3A_154, %div3A_133 : i32
    %mul3A_156 = arith.constant 8 : i32
    %mul3A_157 = arith.muli %select_n3A_155, %mul3A_156 : i32
    %sub3A_158 = arith.subi %add3A_131, %mul3A_157 : i32
    %dma_start3A_159 = arith.constant 0 : i32
    %dma_start3A_160 = tpu.memref_slice %arg5[%select_n3A_155, %sub3A_158, %dma_start3A_159] : memref<7x8x128xi32, #tpu.memory_space<vmem>> -> memref<1x1x128xi32, #tpu.memory_space<vmem>>
    %dma_start3A_161 = tpu.memref_squeeze %dma_start3A_160 : memref<1x1x128xi32, #tpu.memory_space<vmem>> -> memref<128xi32, #tpu.memory_space<vmem>>
    %dma_start3A_162 = arith.constant 0 : i32
    %dma_start3A_163 = arith.constant 0 : i32
    %dma_start3A_164 = tpu.memref_slice %arg3[%dma_start3A_162, %dma_start3A_163] : memref<524288x128xf32, #tpu.memory_space<hbm>> -> memref<524288x128xf32, #tpu.memory_space<hbm>>
    tpu.enqueue_indirect_dma source(%dma_start3A_164 : memref<524288x128xf32, #tpu.memory_space<hbm>>) target(%arg9 : memref<128x128xf32, #tpu.memory_space<vmem>>) offsets(%dma_start3A_161 : memref<128xi32, #tpu.memory_space<vmem>>) semaphore(%arg14 : memref<!tpu.dma_semaphore, #tpu.memory_space<semaphore_mem>>)
    %add3A_165 = arith.constant 4 : i32
    %add3A_166 = arith.addi %sub3A_21, %add3A_165 : i32
    %jit3A_167 = arith.constant 8 : i32
    %div3A_168 = arith.divsi %add3A_166, %jit3A_167 : i32
    %sign3A_169 = arith.constant 0 : i32
    %sign3A_170 = arith.cmpi sgt, %add3A_166, %sign3A_169 : i32
    %sign3A_171 = arith.extui %sign3A_170 : i1 to i32
    %sign3A_172 = arith.constant 0 : i32
    %sign3A_173 = arith.cmpi slt, %add3A_166, %sign3A_172 : i32
    %sign3A_174 = arith.extui %sign3A_173 : i1 to i32
    %sign3A_175 = arith.subi %sign3A_171, %sign3A_174 : i32
    %sign3A_176 = arith.constant 0 : i32
    %sign3A_177 = arith.cmpi sgt, %jit3A_167, %sign3A_176 : i32
    %sign3A_178 = arith.extui %sign3A_177 : i1 to i32
    %sign3A_179 = arith.constant 0 : i32
    %sign3A_180 = arith.cmpi slt, %jit3A_167, %sign3A_179 : i32
    %sign3A_181 = arith.extui %sign3A_180 : i1 to i32
    %sign3A_182 = arith.subi %sign3A_178, %sign3A_181 : i32
    %ne3A_183 = arith.cmpi ne, %sign3A_175, %sign3A_182 : i32
    %rem3A_184 = arith.remsi %add3A_166, %jit3A_167 : i32
    %ne3A_185 = arith.constant 0 : i32
    %ne3A_186 = arith.cmpi ne, %rem3A_184, %ne3A_185 : i32
    %and3A_187 = arith.andi %ne3A_183, %ne3A_186 : i1
    %sub3A_188 = arith.constant 1 : i32
    %sub3A_189 = arith.subi %div3A_168, %sub3A_188 : i32
    %select_n3A_190 = arith.select %and3A_187, %sub3A_189, %div3A_168 : i32
    %mul3A_191 = arith.constant 8 : i32
    %mul3A_192 = arith.muli %select_n3A_190, %mul3A_191 : i32
    %sub3A_193 = arith.subi %add3A_166, %mul3A_192 : i32
    %dma_start3A_194 = arith.constant 0 : i32
    %dma_start3A_195 = tpu.memref_slice %arg5[%select_n3A_190, %sub3A_193, %dma_start3A_194] : memref<7x8x128xi32, #tpu.memory_space<vmem>> -> memref<1x1x128xi32, #tpu.memory_space<vmem>>
    %dma_start3A_196 = tpu.memref_squeeze %dma_start3A_195 : memref<1x1x128xi32, #tpu.memory_space<vmem>> -> memref<128xi32, #tpu.memory_space<vmem>>
    %dma_start3A_197 = arith.constant 0 : i32
    %dma_start3A_198 = arith.constant 0 : i32
    %dma_start3A_199 = tpu.memref_slice %arg3[%dma_start3A_197, %dma_start3A_198] : memref<524288x128xf32, #tpu.memory_space<hbm>> -> memref<524288x128xf32, #tpu.memory_space<hbm>>
    tpu.enqueue_indirect_dma source(%dma_start3A_199 : memref<524288x128xf32, #tpu.memory_space<hbm>>) target(%arg10 : memref<128x128xf32, #tpu.memory_space<vmem>>) offsets(%dma_start3A_196 : memref<128xi32, #tpu.memory_space<vmem>>) semaphore(%arg15 : memref<!tpu.dma_semaphore, #tpu.memory_space<semaphore_mem>>)
    %scan3A_200 = arith.constant 0 : i32
    %scan3A_201 = arith.constant 9 : i32
    %scan3A_202 = arith.addi %scan3A_200, %scan3A_201 : i32
    %scan3A_203 = arith.constant 1 : i32
    scf.for %scan3A_459 = %scan3A_200 to %scan3A_202 step %scan3A_203  : i32 {
      %mul3A_460 = arith.constant 5 : i32
      %mul3A_461 = arith.muli %scan3A_459, %mul3A_460 : i32
      %add3A_462 = arith.constant 0 : i32
      %add3A_463 = arith.addi %add3A_462, %mul3A_461 : i32
      %add3A_464 = arith.constant 0 : i32
      %add3A_465 = arith.addi %add3A_463, %add3A_464 : i32
      %add3A_466 = arith.addi %sub3A_21, %add3A_465 : i32
      %jit3A_467 = arith.constant 8 : i32
      %div3A_468 = arith.divsi %add3A_466, %jit3A_467 : i32
      %sign3A_469 = arith.constant 0 : i32
      %sign3A_470 = arith.cmpi sgt, %add3A_466, %sign3A_469 : i32
      %sign3A_471 = arith.extui %sign3A_470 : i1 to i32
      %sign3A_472 = arith.constant 0 : i32
      %sign3A_473 = arith.cmpi slt, %add3A_466, %sign3A_472 : i32
      %sign3A_474 = arith.extui %sign3A_473 : i1 to i32
      %sign3A_475 = arith.subi %sign3A_471, %sign3A_474 : i32
      %sign3A_476 = arith.constant 0 : i32
      %sign3A_477 = arith.cmpi sgt, %jit3A_467, %sign3A_476 : i32
      %sign3A_478 = arith.extui %sign3A_477 : i1 to i32
      %sign3A_479 = arith.constant 0 : i32
      %sign3A_480 = arith.cmpi slt, %jit3A_467, %sign3A_479 : i32
      %sign3A_481 = arith.extui %sign3A_480 : i1 to i32
      %sign3A_482 = arith.subi %sign3A_478, %sign3A_481 : i32
      %ne3A_483 = arith.cmpi ne, %sign3A_475, %sign3A_482 : i32
      %rem3A_484 = arith.remsi %add3A_466, %jit3A_467 : i32
      %ne3A_485 = arith.constant 0 : i32
      %ne3A_486 = arith.cmpi ne, %rem3A_484, %ne3A_485 : i32
      %and3A_487 = arith.andi %ne3A_483, %ne3A_486 : i1
      %sub3A_488 = arith.constant 1 : i32
      %sub3A_489 = arith.subi %div3A_468, %sub3A_488 : i32
      %select_n3A_490 = arith.select %and3A_487, %sub3A_489, %div3A_468 : i32
      %mul3A_491 = arith.constant 8 : i32
      %mul3A_492 = arith.muli %select_n3A_490, %mul3A_491 : i32
      %sub3A_493 = arith.subi %add3A_466, %mul3A_492 : i32
      %dma_wait3A_494 = arith.constant 0 : i32
      %dma_wait3A_495 = tpu.memref_slice %arg5[%select_n3A_490, %sub3A_493, %dma_wait3A_494] : memref<7x8x128xi32, #tpu.memory_space<vmem>> -> memref<1x1x128xi32, #tpu.memory_space<vmem>>
      %dma_wait3A_496 = tpu.memref_squeeze %dma_wait3A_495 : memref<1x1x128xi32, #tpu.memory_space<vmem>> -> memref<128xi32, #tpu.memory_space<vmem>>
      %dma_wait3A_497 = arith.constant 0 : i32
      %dma_wait3A_498 = arith.constant 0 : i32
      %dma_wait3A_499 = tpu.memref_slice %arg3[%dma_wait3A_497, %dma_wait3A_498] : memref<524288x128xf32, #tpu.memory_space<hbm>> -> memref<524288x128xf32, #tpu.memory_space<hbm>>
      tpu.wait_indirect_dma semaphore(%arg11 : memref<!tpu.dma_semaphore, #tpu.memory_space<semaphore_mem>>) src(%dma_wait3A_499 : memref<524288x128xf32, #tpu.memory_space<hbm>>) dst(%arg6 : memref<128x128xf32, #tpu.memory_space<vmem>>)
      %add3A_500 = arith.addi %mul3A_2, %add3A_465 : i32
      %mul3A_501 = arith.constant 128 : i32
      %mul3A_502 = arith.muli %add3A_500, %mul3A_501 : i32
      %dma_start3A_503 = arith.constant 0 : i32
      %dma_start3A_504 = tpu.memref_slice %arg4[%mul3A_502, %dma_start3A_503] : memref<204800x128xf32, #tpu.memory_space<hbm>> -> memref<128x128xf32, #tpu.memory_space<hbm>>
      %dma_start3A_505 = arith.constant 0 : i32
      %dma_start3A_506 = tpu.memref_slice %arg4[%mul3A_502, %dma_start3A_505] : memref<204800x128xf32, #tpu.memory_space<hbm>> -> memref<128x128xf32, #tpu.memory_space<hbm>>
      tpu.enqueue_dma source(%arg6 : memref<128x128xf32, #tpu.memory_space<vmem>>) target(%dma_start3A_506 : memref<128x128xf32, #tpu.memory_space<hbm>>) target_semaphore(%arg16 : memref<!tpu.dma_semaphore, #tpu.memory_space<semaphore_mem>>)
      %add3A_507 = arith.addi %mul3A_2, %add3A_465 : i32
      %mul3A_508 = arith.constant 128 : i32
      %mul3A_509 = arith.muli %add3A_507, %mul3A_508 : i32
      %dma_wait3A_510 = arith.constant 0 : i32
      %dma_wait3A_511 = tpu.memref_slice %arg4[%mul3A_509, %dma_wait3A_510] : memref<204800x128xf32, #tpu.memory_space<hbm>> -> memref<128x128xf32, #tpu.memory_space<hbm>>
      %dma_wait3A_512 = arith.constant 0 : i32
      %dma_wait3A_513 = tpu.memref_slice %arg4[%mul3A_509, %dma_wait3A_512] : memref<204800x128xf32, #tpu.memory_space<hbm>> -> memref<128x128xf32, #tpu.memory_space<hbm>>
      tpu.wait_dma2 semaphore(%arg16 : memref<!tpu.dma_semaphore, #tpu.memory_space<semaphore_mem>>) src(%arg6 : memref<128x128xf32, #tpu.memory_space<vmem>>) dst(%dma_wait3A_513 : memref<128x128xf32, #tpu.memory_space<hbm>>)
      %add3A_514 = arith.constant 5 : i32
      %add3A_515 = arith.addi %add3A_465, %add3A_514 : i32
      %add3A_516 = arith.addi %sub3A_21, %add3A_515 : i32
      %jit3A_517 = arith.constant 8 : i32
      %div3A_518 = arith.divsi %add3A_516, %jit3A_517 : i32
      %sign3A_519 = arith.constant 0 : i32
      %sign3A_520 = arith.cmpi sgt, %add3A_516, %sign3A_519 : i32
      %sign3A_521 = arith.extui %sign3A_520 : i1 to i32
      %sign3A_522 = arith.constant 0 : i32
      %sign3A_523 = arith.cmpi slt, %add3A_516, %sign3A_522 : i32
      %sign3A_524 = arith.extui %sign3A_523 : i1 to i32
      %sign3A_525 = arith.subi %sign3A_521, %sign3A_524 : i32
      %sign3A_526 = arith.constant 0 : i32
      %sign3A_527 = arith.cmpi sgt, %jit3A_517, %sign3A_526 : i32
      %sign3A_528 = arith.extui %sign3A_527 : i1 to i32
      %sign3A_529 = arith.constant 0 : i32
      %sign3A_530 = arith.cmpi slt, %jit3A_517, %sign3A_529 : i32
      %sign3A_531 = arith.extui %sign3A_530 : i1 to i32
      %sign3A_532 = arith.subi %sign3A_528, %sign3A_531 : i32
      %ne3A_533 = arith.cmpi ne, %sign3A_525, %sign3A_532 : i32
      %rem3A_534 = arith.remsi %add3A_516, %jit3A_517 : i32
      %ne3A_535 = arith.constant 0 : i32
      %ne3A_536 = arith.cmpi ne, %rem3A_534, %ne3A_535 : i32
      %and3A_537 = arith.andi %ne3A_533, %ne3A_536 : i1
      %sub3A_538 = arith.constant 1 : i32
      %sub3A_539 = arith.subi %div3A_518, %sub3A_538 : i32
      %select_n3A_540 = arith.select %and3A_537, %sub3A_539, %div3A_518 : i32
      %mul3A_541 = arith.constant 8 : i32
      %mul3A_542 = arith.muli %select_n3A_540, %mul3A_541 : i32
      %sub3A_543 = arith.subi %add3A_516, %mul3A_542 : i32
      %dma_start3A_544 = arith.constant 0 : i32
      %dma_start3A_545 = tpu.memref_slice %arg5[%select_n3A_540, %sub3A_543, %dma_start3A_544] : memref<7x8x128xi32, #tpu.memory_space<vmem>> -> memref<1x1x128xi32, #tpu.memory_space<vmem>>
      %dma_start3A_546 = tpu.memref_squeeze %dma_start3A_545 : memref<1x1x128xi32, #tpu.memory_space<vmem>> -> memref<128xi32, #tpu.memory_space<vmem>>
      %dma_start3A_547 = arith.constant 0 : i32
      %dma_start3A_548 = arith.constant 0 : i32
      %dma_start3A_549 = tpu.memref_slice %arg3[%dma_start3A_547, %dma_start3A_548] : memref<524288x128xf32, #tpu.memory_space<hbm>> -> memref<524288x128xf32, #tpu.memory_space<hbm>>
      tpu.enqueue_indirect_dma source(%dma_start3A_549 : memref<524288x128xf32, #tpu.memory_space<hbm>>) target(%arg6 : memref<128x128xf32, #tpu.memory_space<vmem>>) offsets(%dma_start3A_546 : memref<128xi32, #tpu.memory_space<vmem>>) semaphore(%arg11 : memref<!tpu.dma_semaphore, #tpu.memory_space<semaphore_mem>>)
      %add3A_550 = arith.constant 1 : i32
      %add3A_551 = arith.addi %add3A_463, %add3A_550 : i32
      %add3A_552 = arith.addi %sub3A_21, %add3A_551 : i32
      %jit3A_553 = arith.constant 8 : i32
      %div3A_554 = arith.divsi %add3A_552, %jit3A_553 : i32
      %sign3A_555 = arith.constant 0 : i32
      %sign3A_556 = arith.cmpi sgt, %add3A_552, %sign3A_555 : i32
      %sign3A_557 = arith.extui %sign3A_556 : i1 to i32
      %sign3A_558 = arith.constant 0 : i32
      %sign3A_559 = arith.cmpi slt, %add3A_552, %sign3A_558 : i32
      %sign3A_560 = arith.extui %sign3A_559 : i1 to i32
      %sign3A_561 = arith.subi %sign3A_557, %sign3A_560 : i32
      %sign3A_562 = arith.constant 0 : i32
      %sign3A_563 = arith.cmpi sgt, %jit3A_553, %sign3A_562 : i32
      %sign3A_564 = arith.extui %sign3A_563 : i1 to i32
      %sign3A_565 = arith.constant 0 : i32
      %sign3A_566 = arith.cmpi slt, %jit3A_553, %sign3A_565 : i32
      %sign3A_567 = arith.extui %sign3A_566 : i1 to i32
      %sign3A_568 = arith.subi %sign3A_564, %sign3A_567 : i32
      %ne3A_569 = arith.cmpi ne, %sign3A_561, %sign3A_568 : i32
      %rem3A_570 = arith.remsi %add3A_552, %jit3A_553 : i32
      %ne3A_571 = arith.constant 0 : i32
      %ne3A_572 = arith.cmpi ne, %rem3A_570, %ne3A_571 : i32
      %and3A_573 = arith.andi %ne3A_569, %ne3A_572 : i1
      %sub3A_574 = arith.constant 1 : i32
      %sub3A_575 = arith.subi %div3A_554, %sub3A_574 : i32
      %select_n3A_576 = arith.select %and3A_573, %sub3A_575, %div3A_554 : i32
      %mul3A_577 = arith.constant 8 : i32
      %mul3A_578 = arith.muli %select_n3A_576, %mul3A_577 : i32
      %sub3A_579 = arith.subi %add3A_552, %mul3A_578 : i32
      %dma_wait3A_580 = arith.constant 0 : i32
      %dma_wait3A_581 = tpu.memref_slice %arg5[%select_n3A_576, %sub3A_579, %dma_wait3A_580] : memref<7x8x128xi32, #tpu.memory_space<vmem>> -> memref<1x1x128xi32, #tpu.memory_space<vmem>>
      %dma_wait3A_582 = tpu.memref_squeeze %dma_wait3A_581 : memref<1x1x128xi32, #tpu.memory_space<vmem>> -> memref<128xi32, #tpu.memory_space<vmem>>
      %dma_wait3A_583 = arith.constant 0 : i32
      %dma_wait3A_584 = arith.constant 0 : i32
      %dma_wait3A_585 = tpu.memref_slice %arg3[%dma_wait3A_583, %dma_wait3A_584] : memref<524288x128xf32, #tpu.memory_space<hbm>> -> memref<524288x128xf32, #tpu.memory_space<hbm>>
      tpu.wait_indirect_dma semaphore(%arg12 : memref<!tpu.dma_semaphore, #tpu.memory_space<semaphore_mem>>) src(%dma_wait3A_585 : memref<524288x128xf32, #tpu.memory_space<hbm>>) dst(%arg7 : memref<128x128xf32, #tpu.memory_space<vmem>>)
      %add3A_586 = arith.addi %mul3A_2, %add3A_551 : i32
      %mul3A_587 = arith.constant 128 : i32
      %mul3A_588 = arith.muli %add3A_586, %mul3A_587 : i32
      %dma_start3A_589 = arith.constant 0 : i32
      %dma_start3A_590 = tpu.memref_slice %arg4[%mul3A_588, %dma_start3A_589] : memref<204800x128xf32, #tpu.memory_space<hbm>> -> memref<128x128xf32, #tpu.memory_space<hbm>>
      %dma_start3A_591 = arith.constant 0 : i32
      %dma_start3A_592 = tpu.memref_slice %arg4[%mul3A_588, %dma_start3A_591] : memref<204800x128xf32, #tpu.memory_space<hbm>> -> memref<128x128xf32, #tpu.memory_space<hbm>>
      tpu.enqueue_dma source(%arg7 : memref<128x128xf32, #tpu.memory_space<vmem>>) target(%dma_start3A_592 : memref<128x128xf32, #tpu.memory_space<hbm>>) target_semaphore(%arg17 : memref<!tpu.dma_semaphore, #tpu.memory_space<semaphore_mem>>)
      %add3A_593 = arith.addi %mul3A_2, %add3A_551 : i32
      %mul3A_594 = arith.constant 128 : i32
      %mul3A_595 = arith.muli %add3A_593, %mul3A_594 : i32
      %dma_wait3A_596 = arith.constant 0 : i32
      %dma_wait3A_597 = tpu.memref_slice %arg4[%mul3A_595, %dma_wait3A_596] : memref<204800x128xf32, #tpu.memory_space<hbm>> -> memref<128x128xf32, #tpu.memory_space<hbm>>
      %dma_wait3A_598 = arith.constant 0 : i32
      %dma_wait3A_599 = tpu.memref_slice %arg4[%mul3A_595, %dma_wait3A_598] : memref<204800x128xf32, #tpu.memory_space<hbm>> -> memref<128x128xf32, #tpu.memory_space<hbm>>
      tpu.wait_dma2 semaphore(%arg17 : memref<!tpu.dma_semaphore, #tpu.memory_space<semaphore_mem>>) src(%arg7 : memref<128x128xf32, #tpu.memory_space<vmem>>) dst(%dma_wait3A_599 : memref<128x128xf32, #tpu.memory_space<hbm>>)
      %add3A_600 = arith.constant 5 : i32
      %add3A_601 = arith.addi %add3A_551, %add3A_600 : i32
      %add3A_602 = arith.addi %sub3A_21, %add3A_601 : i32
      %jit3A_603 = arith.constant 8 : i32
      %div3A_604 = arith.divsi %add3A_602, %jit3A_603 : i32
      %sign3A_605 = arith.constant 0 : i32
      %sign3A_606 = arith.cmpi sgt, %add3A_602, %sign3A_605 : i32
      %sign3A_607 = arith.extui %sign3A_606 : i1 to i32
      %sign3A_608 = arith.constant 0 : i32
      %sign3A_609 = arith.cmpi slt, %add3A_602, %sign3A_608 : i32
      %sign3A_610 = arith.extui %sign3A_609 : i1 to i32
      %sign3A_611 = arith.subi %sign3A_607, %sign3A_610 : i32
      %sign3A_612 = arith.constant 0 : i32
      %sign3A_613 = arith.cmpi sgt, %jit3A_603, %sign3A_612 : i32
      %sign3A_614 = arith.extui %sign3A_613 : i1 to i32
      %sign3A_615 = arith.constant 0 : i32
      %sign3A_616 = arith.cmpi slt, %jit3A_603, %sign3A_615 : i32
      %sign3A_617 = arith.extui %sign3A_616 : i1 to i32
      %sign3A_618 = arith.subi %sign3A_614, %sign3A_617 : i32
      %ne3A_619 = arith.cmpi ne, %sign3A_611, %sign3A_618 : i32
      %rem3A_620 = arith.remsi %add3A_602, %jit3A_603 : i32
      %ne3A_621 = arith.constant 0 : i32
      %ne3A_622 = arith.cmpi ne, %rem3A_620, %ne3A_621 : i32
      %and3A_623 = arith.andi %ne3A_619, %ne3A_622 : i1
      %sub3A_624 = arith.constant 1 : i32
      %sub3A_625 = arith.subi %div3A_604, %sub3A_624 : i32
      %select_n3A_626 = arith.select %and3A_623, %sub3A_625, %div3A_604 : i32
      %mul3A_627 = arith.constant 8 : i32
      %mul3A_628 = arith.muli %select_n3A_626, %mul3A_627 : i32
      %sub3A_629 = arith.subi %add3A_602, %mul3A_628 : i32
      %dma_start3A_630 = arith.constant 0 : i32
      %dma_start3A_631 = tpu.memref_slice %arg5[%select_n3A_626, %sub3A_629, %dma_start3A_630] : memref<7x8x128xi32, #tpu.memory_space<vmem>> -> memref<1x1x128xi32, #tpu.memory_space<vmem>>
      %dma_start3A_632 = tpu.memref_squeeze %dma_start3A_631 : memref<1x1x128xi32, #tpu.memory_space<vmem>> -> memref<128xi32, #tpu.memory_space<vmem>>
      %dma_start3A_633 = arith.constant 0 : i32
      %dma_start3A_634 = arith.constant 0 : i32
      %dma_start3A_635 = tpu.memref_slice %arg3[%dma_start3A_633, %dma_start3A_634] : memref<524288x128xf32, #tpu.memory_space<hbm>> -> memref<524288x128xf32, #tpu.memory_space<hbm>>
      tpu.enqueue_indirect_dma source(%dma_start3A_635 : memref<524288x128xf32, #tpu.memory_space<hbm>>) target(%arg7 : memref<128x128xf32, #tpu.memory_space<vmem>>) offsets(%dma_start3A_632 : memref<128xi32, #tpu.memory_space<vmem>>) semaphore(%arg12 : memref<!tpu.dma_semaphore, #tpu.memory_space<semaphore_mem>>)
      %add3A_636 = arith.constant 2 : i32
      %add3A_637 = arith.addi %add3A_463, %add3A_636 : i32
      %add3A_638 = arith.addi %sub3A_21, %add3A_637 : i32
      %jit3A_639 = arith.constant 8 : i32
      %div3A_640 = arith.divsi %add3A_638, %jit3A_639 : i32
      %sign3A_641 = arith.constant 0 : i32
      %sign3A_642 = arith.cmpi sgt, %add3A_638, %sign3A_641 : i32
      %sign3A_643 = arith.extui %sign3A_642 : i1 to i32
      %sign3A_644 = arith.constant 0 : i32
      %sign3A_645 = arith.cmpi slt, %add3A_638, %sign3A_644 : i32
      %sign3A_646 = arith.extui %sign3A_645 : i1 to i32
      %sign3A_647 = arith.subi %sign3A_643, %sign3A_646 : i32
      %sign3A_648 = arith.constant 0 : i32
      %sign3A_649 = arith.cmpi sgt, %jit3A_639, %sign3A_648 : i32
      %sign3A_650 = arith.extui %sign3A_649 : i1 to i32
      %sign3A_651 = arith.constant 0 : i32
      %sign3A_652 = arith.cmpi slt, %jit3A_639, %sign3A_651 : i32
      %sign3A_653 = arith.extui %sign3A_652 : i1 to i32
      %sign3A_654 = arith.subi %sign3A_650, %sign3A_653 : i32
      %ne3A_655 = arith.cmpi ne, %sign3A_647, %sign3A_654 : i32
      %rem3A_656 = arith.remsi %add3A_638, %jit3A_639 : i32
      %ne3A_657 = arith.constant 0 : i32
      %ne3A_658 = arith.cmpi ne, %rem3A_656, %ne3A_657 : i32
      %and3A_659 = arith.andi %ne3A_655, %ne3A_658 : i1
      %sub3A_660 = arith.constant 1 : i32
      %sub3A_661 = arith.subi %div3A_640, %sub3A_660 : i32
      %select_n3A_662 = arith.select %and3A_659, %sub3A_661, %div3A_640 : i32
      %mul3A_663 = arith.constant 8 : i32
      %mul3A_664 = arith.muli %select_n3A_662, %mul3A_663 : i32
      %sub3A_665 = arith.subi %add3A_638, %mul3A_664 : i32
      %dma_wait3A_666 = arith.constant 0 : i32
      %dma_wait3A_667 = tpu.memref_slice %arg5[%select_n3A_662, %sub3A_665, %dma_wait3A_666] : memref<7x8x128xi32, #tpu.memory_space<vmem>> -> memref<1x1x128xi32, #tpu.memory_space<vmem>>
      %dma_wait3A_668 = tpu.memref_squeeze %dma_wait3A_667 : memref<1x1x128xi32, #tpu.memory_space<vmem>> -> memref<128xi32, #tpu.memory_space<vmem>>
      %dma_wait3A_669 = arith.constant 0 : i32
      %dma_wait3A_670 = arith.constant 0 : i32
      %dma_wait3A_671 = tpu.memref_slice %arg3[%dma_wait3A_669, %dma_wait3A_670] : memref<524288x128xf32, #tpu.memory_space<hbm>> -> memref<524288x128xf32, #tpu.memory_space<hbm>>
      tpu.wait_indirect_dma semaphore(%arg13 : memref<!tpu.dma_semaphore, #tpu.memory_space<semaphore_mem>>) src(%dma_wait3A_671 : memref<524288x128xf32, #tpu.memory_space<hbm>>) dst(%arg8 : memref<128x128xf32, #tpu.memory_space<vmem>>)
      %add3A_672 = arith.addi %mul3A_2, %add3A_637 : i32
      %mul3A_673 = arith.constant 128 : i32
      %mul3A_674 = arith.muli %add3A_672, %mul3A_673 : i32
      %dma_start3A_675 = arith.constant 0 : i32
      %dma_start3A_676 = tpu.memref_slice %arg4[%mul3A_674, %dma_start3A_675] : memref<204800x128xf32, #tpu.memory_space<hbm>> -> memref<128x128xf32, #tpu.memory_space<hbm>>
      %dma_start3A_677 = arith.constant 0 : i32
      %dma_start3A_678 = tpu.memref_slice %arg4[%mul3A_674, %dma_start3A_677] : memref<204800x128xf32, #tpu.memory_space<hbm>> -> memref<128x128xf32, #tpu.memory_space<hbm>>
      tpu.enqueue_dma source(%arg8 : memref<128x128xf32, #tpu.memory_space<vmem>>) target(%dma_start3A_678 : memref<128x128xf32, #tpu.memory_space<hbm>>) target_semaphore(%arg18 : memref<!tpu.dma_semaphore, #tpu.memory_space<semaphore_mem>>)
      %add3A_679 = arith.addi %mul3A_2, %add3A_637 : i32
      %mul3A_680 = arith.constant 128 : i32
      %mul3A_681 = arith.muli %add3A_679, %mul3A_680 : i32
      %dma_wait3A_682 = arith.constant 0 : i32
      %dma_wait3A_683 = tpu.memref_slice %arg4[%mul3A_681, %dma_wait3A_682] : memref<204800x128xf32, #tpu.memory_space<hbm>> -> memref<128x128xf32, #tpu.memory_space<hbm>>
      %dma_wait3A_684 = arith.constant 0 : i32
      %dma_wait3A_685 = tpu.memref_slice %arg4[%mul3A_681, %dma_wait3A_684] : memref<204800x128xf32, #tpu.memory_space<hbm>> -> memref<128x128xf32, #tpu.memory_space<hbm>>
      tpu.wait_dma2 semaphore(%arg18 : memref<!tpu.dma_semaphore, #tpu.memory_space<semaphore_mem>>) src(%arg8 : memref<128x128xf32, #tpu.memory_space<vmem>>) dst(%dma_wait3A_685 : memref<128x128xf32, #tpu.memory_space<hbm>>)
      %add3A_686 = arith.constant 5 : i32
      %add3A_687 = arith.addi %add3A_637, %add3A_686 : i32
      %add3A_688 = arith.addi %sub3A_21, %add3A_687 : i32
      %jit3A_689 = arith.constant 8 : i32
      %div3A_690 = arith.divsi %add3A_688, %jit3A_689 : i32
      %sign3A_691 = arith.constant 0 : i32
      %sign3A_692 = arith.cmpi sgt, %add3A_688, %sign3A_691 : i32
      %sign3A_693 = arith.extui %sign3A_692 : i1 to i32
      %sign3A_694 = arith.constant 0 : i32
      %sign3A_695 = arith.cmpi slt, %add3A_688, %sign3A_694 : i32
      %sign3A_696 = arith.extui %sign3A_695 : i1 to i32
      %sign3A_697 = arith.subi %sign3A_693, %sign3A_696 : i32
      %sign3A_698 = arith.constant 0 : i32
      %sign3A_699 = arith.cmpi sgt, %jit3A_689, %sign3A_698 : i32
      %sign3A_700 = arith.extui %sign3A_699 : i1 to i32
      %sign3A_701 = arith.constant 0 : i32
      %sign3A_702 = arith.cmpi slt, %jit3A_689, %sign3A_701 : i32
      %sign3A_703 = arith.extui %sign3A_702 : i1 to i32
      %sign3A_704 = arith.subi %sign3A_700, %sign3A_703 : i32
      %ne3A_705 = arith.cmpi ne, %sign3A_697, %sign3A_704 : i32
      %rem3A_706 = arith.remsi %add3A_688, %jit3A_689 : i32
      %ne3A_707 = arith.constant 0 : i32
      %ne3A_708 = arith.cmpi ne, %rem3A_706, %ne3A_707 : i32
      %and3A_709 = arith.andi %ne3A_705, %ne3A_708 : i1
      %sub3A_710 = arith.constant 1 : i32
      %sub3A_711 = arith.subi %div3A_690, %sub3A_710 : i32
      %select_n3A_712 = arith.select %and3A_709, %sub3A_711, %div3A_690 : i32
      %mul3A_713 = arith.constant 8 : i32
      %mul3A_714 = arith.muli %select_n3A_712, %mul3A_713 : i32
      %sub3A_715 = arith.subi %add3A_688, %mul3A_714 : i32
      %dma_start3A_716 = arith.constant 0 : i32
      %dma_start3A_717 = tpu.memref_slice %arg5[%select_n3A_712, %sub3A_715, %dma_start3A_716] : memref<7x8x128xi32, #tpu.memory_space<vmem>> -> memref<1x1x128xi32, #tpu.memory_space<vmem>>
      %dma_start3A_718 = tpu.memref_squeeze %dma_start3A_717 : memref<1x1x128xi32, #tpu.memory_space<vmem>> -> memref<128xi32, #tpu.memory_space<vmem>>
      %dma_start3A_719 = arith.constant 0 : i32
      %dma_start3A_720 = arith.constant 0 : i32
      %dma_start3A_721 = tpu.memref_slice %arg3[%dma_start3A_719, %dma_start3A_720] : memref<524288x128xf32, #tpu.memory_space<hbm>> -> memref<524288x128xf32, #tpu.memory_space<hbm>>
      tpu.enqueue_indirect_dma source(%dma_start3A_721 : memref<524288x128xf32, #tpu.memory_space<hbm>>) target(%arg8 : memref<128x128xf32, #tpu.memory_space<vmem>>) offsets(%dma_start3A_718 : memref<128xi32, #tpu.memory_space<vmem>>) semaphore(%arg13 : memref<!tpu.dma_semaphore, #tpu.memory_space<semaphore_mem>>)
      %add3A_722 = arith.constant 3 : i32
      %add3A_723 = arith.addi %add3A_463, %add3A_722 : i32
      %add3A_724 = arith.addi %sub3A_21, %add3A_723 : i32
      %jit3A_725 = arith.constant 8 : i32
      %div3A_726 = arith.divsi %add3A_724, %jit3A_725 : i32
      %sign3A_727 = arith.constant 0 : i32
      %sign3A_728 = arith.cmpi sgt, %add3A_724, %sign3A_727 : i32
      %sign3A_729 = arith.extui %sign3A_728 : i1 to i32
      %sign3A_730 = arith.constant 0 : i32
      %sign3A_731 = arith.cmpi slt, %add3A_724, %sign3A_730 : i32
      %sign3A_732 = arith.extui %sign3A_731 : i1 to i32
      %sign3A_733 = arith.subi %sign3A_729, %sign3A_732 : i32
      %sign3A_734 = arith.constant 0 : i32
      %sign3A_735 = arith.cmpi sgt, %jit3A_725, %sign3A_734 : i32
      %sign3A_736 = arith.extui %sign3A_735 : i1 to i32
      %sign3A_737 = arith.constant 0 : i32
      %sign3A_738 = arith.cmpi slt, %jit3A_725, %sign3A_737 : i32
      %sign3A_739 = arith.extui %sign3A_738 : i1 to i32
      %sign3A_740 = arith.subi %sign3A_736, %sign3A_739 : i32
      %ne3A_741 = arith.cmpi ne, %sign3A_733, %sign3A_740 : i32
      %rem3A_742 = arith.remsi %add3A_724, %jit3A_725 : i32
      %ne3A_743 = arith.constant 0 : i32
      %ne3A_744 = arith.cmpi ne, %rem3A_742, %ne3A_743 : i32
      %and3A_745 = arith.andi %ne3A_741, %ne3A_744 : i1
      %sub3A_746 = arith.constant 1 : i32
      %sub3A_747 = arith.subi %div3A_726, %sub3A_746 : i32
      %select_n3A_748 = arith.select %and3A_745, %sub3A_747, %div3A_726 : i32
      %mul3A_749 = arith.constant 8 : i32
      %mul3A_750 = arith.muli %select_n3A_748, %mul3A_749 : i32
      %sub3A_751 = arith.subi %add3A_724, %mul3A_750 : i32
      %dma_wait3A_752 = arith.constant 0 : i32
      %dma_wait3A_753 = tpu.memref_slice %arg5[%select_n3A_748, %sub3A_751, %dma_wait3A_752] : memref<7x8x128xi32, #tpu.memory_space<vmem>> -> memref<1x1x128xi32, #tpu.memory_space<vmem>>
      %dma_wait3A_754 = tpu.memref_squeeze %dma_wait3A_753 : memref<1x1x128xi32, #tpu.memory_space<vmem>> -> memref<128xi32, #tpu.memory_space<vmem>>
      %dma_wait3A_755 = arith.constant 0 : i32
      %dma_wait3A_756 = arith.constant 0 : i32
      %dma_wait3A_757 = tpu.memref_slice %arg3[%dma_wait3A_755, %dma_wait3A_756] : memref<524288x128xf32, #tpu.memory_space<hbm>> -> memref<524288x128xf32, #tpu.memory_space<hbm>>
      tpu.wait_indirect_dma semaphore(%arg14 : memref<!tpu.dma_semaphore, #tpu.memory_space<semaphore_mem>>) src(%dma_wait3A_757 : memref<524288x128xf32, #tpu.memory_space<hbm>>) dst(%arg9 : memref<128x128xf32, #tpu.memory_space<vmem>>)
      %add3A_758 = arith.addi %mul3A_2, %add3A_723 : i32
      %mul3A_759 = arith.constant 128 : i32
      %mul3A_760 = arith.muli %add3A_758, %mul3A_759 : i32
      %dma_start3A_761 = arith.constant 0 : i32
      %dma_start3A_762 = tpu.memref_slice %arg4[%mul3A_760, %dma_start3A_761] : memref<204800x128xf32, #tpu.memory_space<hbm>> -> memref<128x128xf32, #tpu.memory_space<hbm>>
      %dma_start3A_763 = arith.constant 0 : i32
      %dma_start3A_764 = tpu.memref_slice %arg4[%mul3A_760, %dma_start3A_763] : memref<204800x128xf32, #tpu.memory_space<hbm>> -> memref<128x128xf32, #tpu.memory_space<hbm>>
      tpu.enqueue_dma source(%arg9 : memref<128x128xf32, #tpu.memory_space<vmem>>) target(%dma_start3A_764 : memref<128x128xf32, #tpu.memory_space<hbm>>) target_semaphore(%arg19 : memref<!tpu.dma_semaphore, #tpu.memory_space<semaphore_mem>>)
      %add3A_765 = arith.addi %mul3A_2, %add3A_723 : i32
      %mul3A_766 = arith.constant 128 : i32
      %mul3A_767 = arith.muli %add3A_765, %mul3A_766 : i32
      %dma_wait3A_768 = arith.constant 0 : i32
      %dma_wait3A_769 = tpu.memref_slice %arg4[%mul3A_767, %dma_wait3A_768] : memref<204800x128xf32, #tpu.memory_space<hbm>> -> memref<128x128xf32, #tpu.memory_space<hbm>>
      %dma_wait3A_770 = arith.constant 0 : i32
      %dma_wait3A_771 = tpu.memref_slice %arg4[%mul3A_767, %dma_wait3A_770] : memref<204800x128xf32, #tpu.memory_space<hbm>> -> memref<128x128xf32, #tpu.memory_space<hbm>>
      tpu.wait_dma2 semaphore(%arg19 : memref<!tpu.dma_semaphore, #tpu.memory_space<semaphore_mem>>) src(%arg9 : memref<128x128xf32, #tpu.memory_space<vmem>>) dst(%dma_wait3A_771 : memref<128x128xf32, #tpu.memory_space<hbm>>)
      %add3A_772 = arith.constant 5 : i32
      %add3A_773 = arith.addi %add3A_723, %add3A_772 : i32
      %add3A_774 = arith.addi %sub3A_21, %add3A_773 : i32
      %jit3A_775 = arith.constant 8 : i32
      %div3A_776 = arith.divsi %add3A_774, %jit3A_775 : i32
      %sign3A_777 = arith.constant 0 : i32
      %sign3A_778 = arith.cmpi sgt, %add3A_774, %sign3A_777 : i32
      %sign3A_779 = arith.extui %sign3A_778 : i1 to i32
      %sign3A_780 = arith.constant 0 : i32
      %sign3A_781 = arith.cmpi slt, %add3A_774, %sign3A_780 : i32
      %sign3A_782 = arith.extui %sign3A_781 : i1 to i32
      %sign3A_783 = arith.subi %sign3A_779, %sign3A_782 : i32
      %sign3A_784 = arith.constant 0 : i32
      %sign3A_785 = arith.cmpi sgt, %jit3A_775, %sign3A_784 : i32
      %sign3A_786 = arith.extui %sign3A_785 : i1 to i32
      %sign3A_787 = arith.constant 0 : i32
      %sign3A_788 = arith.cmpi slt, %jit3A_775, %sign3A_787 : i32
      %sign3A_789 = arith.extui %sign3A_788 : i1 to i32
      %sign3A_790 = arith.subi %sign3A_786, %sign3A_789 : i32
      %ne3A_791 = arith.cmpi ne, %sign3A_783, %sign3A_790 : i32
      %rem3A_792 = arith.remsi %add3A_774, %jit3A_775 : i32
      %ne3A_793 = arith.constant 0 : i32
      %ne3A_794 = arith.cmpi ne, %rem3A_792, %ne3A_793 : i32
      %and3A_795 = arith.andi %ne3A_791, %ne3A_794 : i1
      %sub3A_796 = arith.constant 1 : i32
      %sub3A_797 = arith.subi %div3A_776, %sub3A_796 : i32
      %select_n3A_798 = arith.select %and3A_795, %sub3A_797, %div3A_776 : i32
      %mul3A_799 = arith.constant 8 : i32
      %mul3A_800 = arith.muli %select_n3A_798, %mul3A_799 : i32
      %sub3A_801 = arith.subi %add3A_774, %mul3A_800 : i32
      %dma_start3A_802 = arith.constant 0 : i32
      %dma_start3A_803 = tpu.memref_slice %arg5[%select_n3A_798, %sub3A_801, %dma_start3A_802] : memref<7x8x128xi32, #tpu.memory_space<vmem>> -> memref<1x1x128xi32, #tpu.memory_space<vmem>>
      %dma_start3A_804 = tpu.memref_squeeze %dma_start3A_803 : memref<1x1x128xi32, #tpu.memory_space<vmem>> -> memref<128xi32, #tpu.memory_space<vmem>>
      %dma_start3A_805 = arith.constant 0 : i32
      %dma_start3A_806 = arith.constant 0 : i32
      %dma_start3A_807 = tpu.memref_slice %arg3[%dma_start3A_805, %dma_start3A_806] : memref<524288x128xf32, #tpu.memory_space<hbm>> -> memref<524288x128xf32, #tpu.memory_space<hbm>>
      tpu.enqueue_indirect_dma source(%dma_start3A_807 : memref<524288x128xf32, #tpu.memory_space<hbm>>) target(%arg9 : memref<128x128xf32, #tpu.memory_space<vmem>>) offsets(%dma_start3A_804 : memref<128xi32, #tpu.memory_space<vmem>>) semaphore(%arg14 : memref<!tpu.dma_semaphore, #tpu.memory_space<semaphore_mem>>)
      %add3A_808 = arith.constant 4 : i32
      %add3A_809 = arith.addi %add3A_463, %add3A_808 : i32
      %add3A_810 = arith.addi %sub3A_21, %add3A_809 : i32
      %jit3A_811 = arith.constant 8 : i32
      %div3A_812 = arith.divsi %add3A_810, %jit3A_811 : i32
      %sign3A_813 = arith.constant 0 : i32
      %sign3A_814 = arith.cmpi sgt, %add3A_810, %sign3A_813 : i32
      %sign3A_815 = arith.extui %sign3A_814 : i1 to i32
      %sign3A_816 = arith.constant 0 : i32
      %sign3A_817 = arith.cmpi slt, %add3A_810, %sign3A_816 : i32
      %sign3A_818 = arith.extui %sign3A_817 : i1 to i32
      %sign3A_819 = arith.subi %sign3A_815, %sign3A_818 : i32
      %sign3A_820 = arith.constant 0 : i32
      %sign3A_821 = arith.cmpi sgt, %jit3A_811, %sign3A_820 : i32
      %sign3A_822 = arith.extui %sign3A_821 : i1 to i32
      %sign3A_823 = arith.constant 0 : i32
      %sign3A_824 = arith.cmpi slt, %jit3A_811, %sign3A_823 : i32
      %sign3A_825 = arith.extui %sign3A_824 : i1 to i32
      %sign3A_826 = arith.subi %sign3A_822, %sign3A_825 : i32
      %ne3A_827 = arith.cmpi ne, %sign3A_819, %sign3A_826 : i32
      %rem3A_828 = arith.remsi %add3A_810, %jit3A_811 : i32
      %ne3A_829 = arith.constant 0 : i32
      %ne3A_830 = arith.cmpi ne, %rem3A_828, %ne3A_829 : i32
      %and3A_831 = arith.andi %ne3A_827, %ne3A_830 : i1
      %sub3A_832 = arith.constant 1 : i32
      %sub3A_833 = arith.subi %div3A_812, %sub3A_832 : i32
      %select_n3A_834 = arith.select %and3A_831, %sub3A_833, %div3A_812 : i32
      %mul3A_835 = arith.constant 8 : i32
      %mul3A_836 = arith.muli %select_n3A_834, %mul3A_835 : i32
      %sub3A_837 = arith.subi %add3A_810, %mul3A_836 : i32
      %dma_wait3A_838 = arith.constant 0 : i32
      %dma_wait3A_839 = tpu.memref_slice %arg5[%select_n3A_834, %sub3A_837, %dma_wait3A_838] : memref<7x8x128xi32, #tpu.memory_space<vmem>> -> memref<1x1x128xi32, #tpu.memory_space<vmem>>
      %dma_wait3A_840 = tpu.memref_squeeze %dma_wait3A_839 : memref<1x1x128xi32, #tpu.memory_space<vmem>> -> memref<128xi32, #tpu.memory_space<vmem>>
      %dma_wait3A_841 = arith.constant 0 : i32
      %dma_wait3A_842 = arith.constant 0 : i32
      %dma_wait3A_843 = tpu.memref_slice %arg3[%dma_wait3A_841, %dma_wait3A_842] : memref<524288x128xf32, #tpu.memory_space<hbm>> -> memref<524288x128xf32, #tpu.memory_space<hbm>>
      tpu.wait_indirect_dma semaphore(%arg15 : memref<!tpu.dma_semaphore, #tpu.memory_space<semaphore_mem>>) src(%dma_wait3A_843 : memref<524288x128xf32, #tpu.memory_space<hbm>>) dst(%arg10 : memref<128x128xf32, #tpu.memory_space<vmem>>)
      %add3A_844 = arith.addi %mul3A_2, %add3A_809 : i32
      %mul3A_845 = arith.constant 128 : i32
      %mul3A_846 = arith.muli %add3A_844, %mul3A_845 : i32
      %dma_start3A_847 = arith.constant 0 : i32
      %dma_start3A_848 = tpu.memref_slice %arg4[%mul3A_846, %dma_start3A_847] : memref<204800x128xf32, #tpu.memory_space<hbm>> -> memref<128x128xf32, #tpu.memory_space<hbm>>
      %dma_start3A_849 = arith.constant 0 : i32
      %dma_start3A_850 = tpu.memref_slice %arg4[%mul3A_846, %dma_start3A_849] : memref<204800x128xf32, #tpu.memory_space<hbm>> -> memref<128x128xf32, #tpu.memory_space<hbm>>
      tpu.enqueue_dma source(%arg10 : memref<128x128xf32, #tpu.memory_space<vmem>>) target(%dma_start3A_850 : memref<128x128xf32, #tpu.memory_space<hbm>>) target_semaphore(%arg20 : memref<!tpu.dma_semaphore, #tpu.memory_space<semaphore_mem>>)
      %add3A_851 = arith.addi %mul3A_2, %add3A_809 : i32
      %mul3A_852 = arith.constant 128 : i32
      %mul3A_853 = arith.muli %add3A_851, %mul3A_852 : i32
      %dma_wait3A_854 = arith.constant 0 : i32
      %dma_wait3A_855 = tpu.memref_slice %arg4[%mul3A_853, %dma_wait3A_854] : memref<204800x128xf32, #tpu.memory_space<hbm>> -> memref<128x128xf32, #tpu.memory_space<hbm>>
      %dma_wait3A_856 = arith.constant 0 : i32
      %dma_wait3A_857 = tpu.memref_slice %arg4[%mul3A_853, %dma_wait3A_856] : memref<204800x128xf32, #tpu.memory_space<hbm>> -> memref<128x128xf32, #tpu.memory_space<hbm>>
      tpu.wait_dma2 semaphore(%arg20 : memref<!tpu.dma_semaphore, #tpu.memory_space<semaphore_mem>>) src(%arg10 : memref<128x128xf32, #tpu.memory_space<vmem>>) dst(%dma_wait3A_857 : memref<128x128xf32, #tpu.memory_space<hbm>>)
      %add3A_858 = arith.constant 5 : i32
      %add3A_859 = arith.addi %add3A_809, %add3A_858 : i32
      %add3A_860 = arith.addi %sub3A_21, %add3A_859 : i32
      %jit3A_861 = arith.constant 8 : i32
      %div3A_862 = arith.divsi %add3A_860, %jit3A_861 : i32
      %sign3A_863 = arith.constant 0 : i32
      %sign3A_864 = arith.cmpi sgt, %add3A_860, %sign3A_863 : i32
      %sign3A_865 = arith.extui %sign3A_864 : i1 to i32
      %sign3A_866 = arith.constant 0 : i32
      %sign3A_867 = arith.cmpi slt, %add3A_860, %sign3A_866 : i32
      %sign3A_868 = arith.extui %sign3A_867 : i1 to i32
      %sign3A_869 = arith.subi %sign3A_865, %sign3A_868 : i32
      %sign3A_870 = arith.constant 0 : i32
      %sign3A_871 = arith.cmpi sgt, %jit3A_861, %sign3A_870 : i32
      %sign3A_872 = arith.extui %sign3A_871 : i1 to i32
      %sign3A_873 = arith.constant 0 : i32
      %sign3A_874 = arith.cmpi slt, %jit3A_861, %sign3A_873 : i32
      %sign3A_875 = arith.extui %sign3A_874 : i1 to i32
      %sign3A_876 = arith.subi %sign3A_872, %sign3A_875 : i32
      %ne3A_877 = arith.cmpi ne, %sign3A_869, %sign3A_876 : i32
      %rem3A_878 = arith.remsi %add3A_860, %jit3A_861 : i32
      %ne3A_879 = arith.constant 0 : i32
      %ne3A_880 = arith.cmpi ne, %rem3A_878, %ne3A_879 : i32
      %and3A_881 = arith.andi %ne3A_877, %ne3A_880 : i1
      %sub3A_882 = arith.constant 1 : i32
      %sub3A_883 = arith.subi %div3A_862, %sub3A_882 : i32
      %select_n3A_884 = arith.select %and3A_881, %sub3A_883, %div3A_862 : i32
      %mul3A_885 = arith.constant 8 : i32
      %mul3A_886 = arith.muli %select_n3A_884, %mul3A_885 : i32
      %sub3A_887 = arith.subi %add3A_860, %mul3A_886 : i32
      %dma_start3A_888 = arith.constant 0 : i32
      %dma_start3A_889 = tpu.memref_slice %arg5[%select_n3A_884, %sub3A_887, %dma_start3A_888] : memref<7x8x128xi32, #tpu.memory_space<vmem>> -> memref<1x1x128xi32, #tpu.memory_space<vmem>>
      %dma_start3A_890 = tpu.memref_squeeze %dma_start3A_889 : memref<1x1x128xi32, #tpu.memory_space<vmem>> -> memref<128xi32, #tpu.memory_space<vmem>>
      %dma_start3A_891 = arith.constant 0 : i32
      %dma_start3A_892 = arith.constant 0 : i32
      %dma_start3A_893 = tpu.memref_slice %arg3[%dma_start3A_891, %dma_start3A_892] : memref<524288x128xf32, #tpu.memory_space<hbm>> -> memref<524288x128xf32, #tpu.memory_space<hbm>>
      tpu.enqueue_indirect_dma source(%dma_start3A_893 : memref<524288x128xf32, #tpu.memory_space<hbm>>) target(%arg10 : memref<128x128xf32, #tpu.memory_space<vmem>>) offsets(%dma_start3A_890 : memref<128xi32, #tpu.memory_space<vmem>>) semaphore(%arg15 : memref<!tpu.dma_semaphore, #tpu.memory_space<semaphore_mem>>)
    }
    %scan3A_204 = arith.constant 9 : i32
    %add3A_205 = arith.constant 45 : i32
    %add3A_206 = arith.addi %sub3A_21, %add3A_205 : i32
    %jit3A_207 = arith.constant 8 : i32
    %div3A_208 = arith.divsi %add3A_206, %jit3A_207 : i32
    %sign3A_209 = arith.constant 0 : i32
    %sign3A_210 = arith.cmpi sgt, %add3A_206, %sign3A_209 : i32
    %sign3A_211 = arith.extui %sign3A_210 : i1 to i32
    %sign3A_212 = arith.constant 0 : i32
    %sign3A_213 = arith.cmpi slt, %add3A_206, %sign3A_212 : i32
    %sign3A_214 = arith.extui %sign3A_213 : i1 to i32
    %sign3A_215 = arith.subi %sign3A_211, %sign3A_214 : i32
    %sign3A_216 = arith.constant 0 : i32
    %sign3A_217 = arith.cmpi sgt, %jit3A_207, %sign3A_216 : i32
    %sign3A_218 = arith.extui %sign3A_217 : i1 to i32
    %sign3A_219 = arith.constant 0 : i32
    %sign3A_220 = arith.cmpi slt, %jit3A_207, %sign3A_219 : i32
    %sign3A_221 = arith.extui %sign3A_220 : i1 to i32
    %sign3A_222 = arith.subi %sign3A_218, %sign3A_221 : i32
    %ne3A_223 = arith.cmpi ne, %sign3A_215, %sign3A_222 : i32
    %rem3A_224 = arith.remsi %add3A_206, %jit3A_207 : i32
    %ne3A_225 = arith.constant 0 : i32
    %ne3A_226 = arith.cmpi ne, %rem3A_224, %ne3A_225 : i32
    %and3A_227 = arith.andi %ne3A_223, %ne3A_226 : i1
    %sub3A_228 = arith.constant 1 : i32
    %sub3A_229 = arith.subi %div3A_208, %sub3A_228 : i32
    %select_n3A_230 = arith.select %and3A_227, %sub3A_229, %div3A_208 : i32
    %mul3A_231 = arith.constant 8 : i32
    %mul3A_232 = arith.muli %select_n3A_230, %mul3A_231 : i32
    %sub3A_233 = arith.subi %add3A_206, %mul3A_232 : i32
    %dma_wait3A = arith.constant 0 : i32
    %dma_wait3A_234 = tpu.memref_slice %arg5[%select_n3A_230, %sub3A_233, %dma_wait3A] : memref<7x8x128xi32, #tpu.memory_space<vmem>> -> memref<1x1x128xi32, #tpu.memory_space<vmem>>
    %dma_wait3A_235 = tpu.memref_squeeze %dma_wait3A_234 : memref<1x1x128xi32, #tpu.memory_space<vmem>> -> memref<128xi32, #tpu.memory_space<vmem>>
    %dma_wait3A_236 = arith.constant 0 : i32
    %dma_wait3A_237 = arith.constant 0 : i32
    %dma_wait3A_238 = tpu.memref_slice %arg3[%dma_wait3A_236, %dma_wait3A_237] : memref<524288x128xf32, #tpu.memory_space<hbm>> -> memref<524288x128xf32, #tpu.memory_space<hbm>>
    tpu.wait_indirect_dma semaphore(%arg11 : memref<!tpu.dma_semaphore, #tpu.memory_space<semaphore_mem>>) src(%dma_wait3A_238 : memref<524288x128xf32, #tpu.memory_space<hbm>>) dst(%arg6 : memref<128x128xf32, #tpu.memory_space<vmem>>)
    %add3A_239 = arith.constant 45 : i32
    %add3A_240 = arith.addi %mul3A_2, %add3A_239 : i32
    %mul3A_241 = arith.constant 128 : i32
    %mul3A_242 = arith.muli %add3A_240, %mul3A_241 : i32
    %dma_start3A_243 = arith.constant 0 : i32
    %dma_start3A_244 = tpu.memref_slice %arg4[%mul3A_242, %dma_start3A_243] : memref<204800x128xf32, #tpu.memory_space<hbm>> -> memref<128x128xf32, #tpu.memory_space<hbm>>
    %dma_start3A_245 = arith.constant 0 : i32
    %dma_start3A_246 = tpu.memref_slice %arg4[%mul3A_242, %dma_start3A_245] : memref<204800x128xf32, #tpu.memory_space<hbm>> -> memref<128x128xf32, #tpu.memory_space<hbm>>
    tpu.enqueue_dma source(%arg6 : memref<128x128xf32, #tpu.memory_space<vmem>>) target(%dma_start3A_246 : memref<128x128xf32, #tpu.memory_space<hbm>>) target_semaphore(%arg16 : memref<!tpu.dma_semaphore, #tpu.memory_space<semaphore_mem>>)
    %add3A_247 = arith.constant 46 : i32
    %add3A_248 = arith.addi %sub3A_21, %add3A_247 : i32
    %jit3A_249 = arith.constant 8 : i32
    %div3A_250 = arith.divsi %add3A_248, %jit3A_249 : i32
    %sign3A_251 = arith.constant 0 : i32
    %sign3A_252 = arith.cmpi sgt, %add3A_248, %sign3A_251 : i32
    %sign3A_253 = arith.extui %sign3A_252 : i1 to i32
    %sign3A_254 = arith.constant 0 : i32
    %sign3A_255 = arith.cmpi slt, %add3A_248, %sign3A_254 : i32
    %sign3A_256 = arith.extui %sign3A_255 : i1 to i32
    %sign3A_257 = arith.subi %sign3A_253, %sign3A_256 : i32
    %sign3A_258 = arith.constant 0 : i32
    %sign3A_259 = arith.cmpi sgt, %jit3A_249, %sign3A_258 : i32
    %sign3A_260 = arith.extui %sign3A_259 : i1 to i32
    %sign3A_261 = arith.constant 0 : i32
    %sign3A_262 = arith.cmpi slt, %jit3A_249, %sign3A_261 : i32
    %sign3A_263 = arith.extui %sign3A_262 : i1 to i32
    %sign3A_264 = arith.subi %sign3A_260, %sign3A_263 : i32
    %ne3A_265 = arith.cmpi ne, %sign3A_257, %sign3A_264 : i32
    %rem3A_266 = arith.remsi %add3A_248, %jit3A_249 : i32
    %ne3A_267 = arith.constant 0 : i32
    %ne3A_268 = arith.cmpi ne, %rem3A_266, %ne3A_267 : i32
    %and3A_269 = arith.andi %ne3A_265, %ne3A_268 : i1
    %sub3A_270 = arith.constant 1 : i32
    %sub3A_271 = arith.subi %div3A_250, %sub3A_270 : i32
    %select_n3A_272 = arith.select %and3A_269, %sub3A_271, %div3A_250 : i32
    %mul3A_273 = arith.constant 8 : i32
    %mul3A_274 = arith.muli %select_n3A_272, %mul3A_273 : i32
    %sub3A_275 = arith.subi %add3A_248, %mul3A_274 : i32
    %dma_wait3A_276 = arith.constant 0 : i32
    %dma_wait3A_277 = tpu.memref_slice %arg5[%select_n3A_272, %sub3A_275, %dma_wait3A_276] : memref<7x8x128xi32, #tpu.memory_space<vmem>> -> memref<1x1x128xi32, #tpu.memory_space<vmem>>
    %dma_wait3A_278 = tpu.memref_squeeze %dma_wait3A_277 : memref<1x1x128xi32, #tpu.memory_space<vmem>> -> memref<128xi32, #tpu.memory_space<vmem>>
    %dma_wait3A_279 = arith.constant 0 : i32
    %dma_wait3A_280 = arith.constant 0 : i32
    %dma_wait3A_281 = tpu.memref_slice %arg3[%dma_wait3A_279, %dma_wait3A_280] : memref<524288x128xf32, #tpu.memory_space<hbm>> -> memref<524288x128xf32, #tpu.memory_space<hbm>>
    tpu.wait_indirect_dma semaphore(%arg12 : memref<!tpu.dma_semaphore, #tpu.memory_space<semaphore_mem>>) src(%dma_wait3A_281 : memref<524288x128xf32, #tpu.memory_space<hbm>>) dst(%arg7 : memref<128x128xf32, #tpu.memory_space<vmem>>)
    %add3A_282 = arith.constant 46 : i32
    %add3A_283 = arith.addi %mul3A_2, %add3A_282 : i32
    %mul3A_284 = arith.constant 128 : i32
    %mul3A_285 = arith.muli %add3A_283, %mul3A_284 : i32
    %dma_start3A_286 = arith.constant 0 : i32
    %dma_start3A_287 = tpu.memref_slice %arg4[%mul3A_285, %dma_start3A_286] : memref<204800x128xf32, #tpu.memory_space<hbm>> -> memref<128x128xf32, #tpu.memory_space<hbm>>
    %dma_start3A_288 = arith.constant 0 : i32
    %dma_start3A_289 = tpu.memref_slice %arg4[%mul3A_285, %dma_start3A_288] : memref<204800x128xf32, #tpu.memory_space<hbm>> -> memref<128x128xf32, #tpu.memory_space<hbm>>
    tpu.enqueue_dma source(%arg7 : memref<128x128xf32, #tpu.memory_space<vmem>>) target(%dma_start3A_289 : memref<128x128xf32, #tpu.memory_space<hbm>>) target_semaphore(%arg17 : memref<!tpu.dma_semaphore, #tpu.memory_space<semaphore_mem>>)
    %add3A_290 = arith.constant 47 : i32
    %add3A_291 = arith.addi %sub3A_21, %add3A_290 : i32
    %jit3A_292 = arith.constant 8 : i32
    %div3A_293 = arith.divsi %add3A_291, %jit3A_292 : i32
    %sign3A_294 = arith.constant 0 : i32
    %sign3A_295 = arith.cmpi sgt, %add3A_291, %sign3A_294 : i32
    %sign3A_296 = arith.extui %sign3A_295 : i1 to i32
    %sign3A_297 = arith.constant 0 : i32
    %sign3A_298 = arith.cmpi slt, %add3A_291, %sign3A_297 : i32
    %sign3A_299 = arith.extui %sign3A_298 : i1 to i32
    %sign3A_300 = arith.subi %sign3A_296, %sign3A_299 : i32
    %sign3A_301 = arith.constant 0 : i32
    %sign3A_302 = arith.cmpi sgt, %jit3A_292, %sign3A_301 : i32
    %sign3A_303 = arith.extui %sign3A_302 : i1 to i32
    %sign3A_304 = arith.constant 0 : i32
    %sign3A_305 = arith.cmpi slt, %jit3A_292, %sign3A_304 : i32
    %sign3A_306 = arith.extui %sign3A_305 : i1 to i32
    %sign3A_307 = arith.subi %sign3A_303, %sign3A_306 : i32
    %ne3A_308 = arith.cmpi ne, %sign3A_300, %sign3A_307 : i32
    %rem3A_309 = arith.remsi %add3A_291, %jit3A_292 : i32
    %ne3A_310 = arith.constant 0 : i32
    %ne3A_311 = arith.cmpi ne, %rem3A_309, %ne3A_310 : i32
    %and3A_312 = arith.andi %ne3A_308, %ne3A_311 : i1
    %sub3A_313 = arith.constant 1 : i32
    %sub3A_314 = arith.subi %div3A_293, %sub3A_313 : i32
    %select_n3A_315 = arith.select %and3A_312, %sub3A_314, %div3A_293 : i32
    %mul3A_316 = arith.constant 8 : i32
    %mul3A_317 = arith.muli %select_n3A_315, %mul3A_316 : i32
    %sub3A_318 = arith.subi %add3A_291, %mul3A_317 : i32
    %dma_wait3A_319 = arith.constant 0 : i32
    %dma_wait3A_320 = tpu.memref_slice %arg5[%select_n3A_315, %sub3A_318, %dma_wait3A_319] : memref<7x8x128xi32, #tpu.memory_space<vmem>> -> memref<1x1x128xi32, #tpu.memory_space<vmem>>
    %dma_wait3A_321 = tpu.memref_squeeze %dma_wait3A_320 : memref<1x1x128xi32, #tpu.memory_space<vmem>> -> memref<128xi32, #tpu.memory_space<vmem>>
    %dma_wait3A_322 = arith.constant 0 : i32
    %dma_wait3A_323 = arith.constant 0 : i32
    %dma_wait3A_324 = tpu.memref_slice %arg3[%dma_wait3A_322, %dma_wait3A_323] : memref<524288x128xf32, #tpu.memory_space<hbm>> -> memref<524288x128xf32, #tpu.memory_space<hbm>>
    tpu.wait_indirect_dma semaphore(%arg13 : memref<!tpu.dma_semaphore, #tpu.memory_space<semaphore_mem>>) src(%dma_wait3A_324 : memref<524288x128xf32, #tpu.memory_space<hbm>>) dst(%arg8 : memref<128x128xf32, #tpu.memory_space<vmem>>)
    %add3A_325 = arith.constant 47 : i32
    %add3A_326 = arith.addi %mul3A_2, %add3A_325 : i32
    %mul3A_327 = arith.constant 128 : i32
    %mul3A_328 = arith.muli %add3A_326, %mul3A_327 : i32
    %dma_start3A_329 = arith.constant 0 : i32
    %dma_start3A_330 = tpu.memref_slice %arg4[%mul3A_328, %dma_start3A_329] : memref<204800x128xf32, #tpu.memory_space<hbm>> -> memref<128x128xf32, #tpu.memory_space<hbm>>
    %dma_start3A_331 = arith.constant 0 : i32
    %dma_start3A_332 = tpu.memref_slice %arg4[%mul3A_328, %dma_start3A_331] : memref<204800x128xf32, #tpu.memory_space<hbm>> -> memref<128x128xf32, #tpu.memory_space<hbm>>
    tpu.enqueue_dma source(%arg8 : memref<128x128xf32, #tpu.memory_space<vmem>>) target(%dma_start3A_332 : memref<128x128xf32, #tpu.memory_space<hbm>>) target_semaphore(%arg18 : memref<!tpu.dma_semaphore, #tpu.memory_space<semaphore_mem>>)
    %add3A_333 = arith.constant 48 : i32
    %add3A_334 = arith.addi %sub3A_21, %add3A_333 : i32
    %jit3A_335 = arith.constant 8 : i32
    %div3A_336 = arith.divsi %add3A_334, %jit3A_335 : i32
    %sign3A_337 = arith.constant 0 : i32
    %sign3A_338 = arith.cmpi sgt, %add3A_334, %sign3A_337 : i32
    %sign3A_339 = arith.extui %sign3A_338 : i1 to i32
    %sign3A_340 = arith.constant 0 : i32
    %sign3A_341 = arith.cmpi slt, %add3A_334, %sign3A_340 : i32
    %sign3A_342 = arith.extui %sign3A_341 : i1 to i32
    %sign3A_343 = arith.subi %sign3A_339, %sign3A_342 : i32
    %sign3A_344 = arith.constant 0 : i32
    %sign3A_345 = arith.cmpi sgt, %jit3A_335, %sign3A_344 : i32
    %sign3A_346 = arith.extui %sign3A_345 : i1 to i32
    %sign3A_347 = arith.constant 0 : i32
    %sign3A_348 = arith.cmpi slt, %jit3A_335, %sign3A_347 : i32
    %sign3A_349 = arith.extui %sign3A_348 : i1 to i32
    %sign3A_350 = arith.subi %sign3A_346, %sign3A_349 : i32
    %ne3A_351 = arith.cmpi ne, %sign3A_343, %sign3A_350 : i32
    %rem3A_352 = arith.remsi %add3A_334, %jit3A_335 : i32
    %ne3A_353 = arith.constant 0 : i32
    %ne3A_354 = arith.cmpi ne, %rem3A_352, %ne3A_353 : i32
    %and3A_355 = arith.andi %ne3A_351, %ne3A_354 : i1
    %sub3A_356 = arith.constant 1 : i32
    %sub3A_357 = arith.subi %div3A_336, %sub3A_356 : i32
    %select_n3A_358 = arith.select %and3A_355, %sub3A_357, %div3A_336 : i32
    %mul3A_359 = arith.constant 8 : i32
    %mul3A_360 = arith.muli %select_n3A_358, %mul3A_359 : i32
    %sub3A_361 = arith.subi %add3A_334, %mul3A_360 : i32
    %dma_wait3A_362 = arith.constant 0 : i32
    %dma_wait3A_363 = tpu.memref_slice %arg5[%select_n3A_358, %sub3A_361, %dma_wait3A_362] : memref<7x8x128xi32, #tpu.memory_space<vmem>> -> memref<1x1x128xi32, #tpu.memory_space<vmem>>
    %dma_wait3A_364 = tpu.memref_squeeze %dma_wait3A_363 : memref<1x1x128xi32, #tpu.memory_space<vmem>> -> memref<128xi32, #tpu.memory_space<vmem>>
    %dma_wait3A_365 = arith.constant 0 : i32
    %dma_wait3A_366 = arith.constant 0 : i32
    %dma_wait3A_367 = tpu.memref_slice %arg3[%dma_wait3A_365, %dma_wait3A_366] : memref<524288x128xf32, #tpu.memory_space<hbm>> -> memref<524288x128xf32, #tpu.memory_space<hbm>>
    tpu.wait_indirect_dma semaphore(%arg14 : memref<!tpu.dma_semaphore, #tpu.memory_space<semaphore_mem>>) src(%dma_wait3A_367 : memref<524288x128xf32, #tpu.memory_space<hbm>>) dst(%arg9 : memref<128x128xf32, #tpu.memory_space<vmem>>)
    %add3A_368 = arith.constant 48 : i32
    %add3A_369 = arith.addi %mul3A_2, %add3A_368 : i32
    %mul3A_370 = arith.constant 128 : i32
    %mul3A_371 = arith.muli %add3A_369, %mul3A_370 : i32
    %dma_start3A_372 = arith.constant 0 : i32
    %dma_start3A_373 = tpu.memref_slice %arg4[%mul3A_371, %dma_start3A_372] : memref<204800x128xf32, #tpu.memory_space<hbm>> -> memref<128x128xf32, #tpu.memory_space<hbm>>
    %dma_start3A_374 = arith.constant 0 : i32
    %dma_start3A_375 = tpu.memref_slice %arg4[%mul3A_371, %dma_start3A_374] : memref<204800x128xf32, #tpu.memory_space<hbm>> -> memref<128x128xf32, #tpu.memory_space<hbm>>
    tpu.enqueue_dma source(%arg9 : memref<128x128xf32, #tpu.memory_space<vmem>>) target(%dma_start3A_375 : memref<128x128xf32, #tpu.memory_space<hbm>>) target_semaphore(%arg19 : memref<!tpu.dma_semaphore, #tpu.memory_space<semaphore_mem>>)
    %add3A_376 = arith.constant 49 : i32
    %add3A_377 = arith.addi %sub3A_21, %add3A_376 : i32
    %jit3A_378 = arith.constant 8 : i32
    %div3A_379 = arith.divsi %add3A_377, %jit3A_378 : i32
    %sign3A_380 = arith.constant 0 : i32
    %sign3A_381 = arith.cmpi sgt, %add3A_377, %sign3A_380 : i32
    %sign3A_382 = arith.extui %sign3A_381 : i1 to i32
    %sign3A_383 = arith.constant 0 : i32
    %sign3A_384 = arith.cmpi slt, %add3A_377, %sign3A_383 : i32
    %sign3A_385 = arith.extui %sign3A_384 : i1 to i32
    %sign3A_386 = arith.subi %sign3A_382, %sign3A_385 : i32
    %sign3A_387 = arith.constant 0 : i32
    %sign3A_388 = arith.cmpi sgt, %jit3A_378, %sign3A_387 : i32
    %sign3A_389 = arith.extui %sign3A_388 : i1 to i32
    %sign3A_390 = arith.constant 0 : i32
    %sign3A_391 = arith.cmpi slt, %jit3A_378, %sign3A_390 : i32
    %sign3A_392 = arith.extui %sign3A_391 : i1 to i32
    %sign3A_393 = arith.subi %sign3A_389, %sign3A_392 : i32
    %ne3A_394 = arith.cmpi ne, %sign3A_386, %sign3A_393 : i32
    %rem3A_395 = arith.remsi %add3A_377, %jit3A_378 : i32
    %ne3A_396 = arith.constant 0 : i32
    %ne3A_397 = arith.cmpi ne, %rem3A_395, %ne3A_396 : i32
    %and3A_398 = arith.andi %ne3A_394, %ne3A_397 : i1
    %sub3A_399 = arith.constant 1 : i32
    %sub3A_400 = arith.subi %div3A_379, %sub3A_399 : i32
    %select_n3A_401 = arith.select %and3A_398, %sub3A_400, %div3A_379 : i32
    %mul3A_402 = arith.constant 8 : i32
    %mul3A_403 = arith.muli %select_n3A_401, %mul3A_402 : i32
    %sub3A_404 = arith.subi %add3A_377, %mul3A_403 : i32
    %dma_wait3A_405 = arith.constant 0 : i32
    %dma_wait3A_406 = tpu.memref_slice %arg5[%select_n3A_401, %sub3A_404, %dma_wait3A_405] : memref<7x8x128xi32, #tpu.memory_space<vmem>> -> memref<1x1x128xi32, #tpu.memory_space<vmem>>
    %dma_wait3A_407 = tpu.memref_squeeze %dma_wait3A_406 : memref<1x1x128xi32, #tpu.memory_space<vmem>> -> memref<128xi32, #tpu.memory_space<vmem>>
    %dma_wait3A_408 = arith.constant 0 : i32
    %dma_wait3A_409 = arith.constant 0 : i32
    %dma_wait3A_410 = tpu.memref_slice %arg3[%dma_wait3A_408, %dma_wait3A_409] : memref<524288x128xf32, #tpu.memory_space<hbm>> -> memref<524288x128xf32, #tpu.memory_space<hbm>>
    tpu.wait_indirect_dma semaphore(%arg15 : memref<!tpu.dma_semaphore, #tpu.memory_space<semaphore_mem>>) src(%dma_wait3A_410 : memref<524288x128xf32, #tpu.memory_space<hbm>>) dst(%arg10 : memref<128x128xf32, #tpu.memory_space<vmem>>)
    %add3A_411 = arith.constant 49 : i32
    %add3A_412 = arith.addi %mul3A_2, %add3A_411 : i32
    %mul3A_413 = arith.constant 128 : i32
    %mul3A_414 = arith.muli %add3A_412, %mul3A_413 : i32
    %dma_start3A_415 = arith.constant 0 : i32
    %dma_start3A_416 = tpu.memref_slice %arg4[%mul3A_414, %dma_start3A_415] : memref<204800x128xf32, #tpu.memory_space<hbm>> -> memref<128x128xf32, #tpu.memory_space<hbm>>
    %dma_start3A_417 = arith.constant 0 : i32
    %dma_start3A_418 = tpu.memref_slice %arg4[%mul3A_414, %dma_start3A_417] : memref<204800x128xf32, #tpu.memory_space<hbm>> -> memref<128x128xf32, #tpu.memory_space<hbm>>
    tpu.enqueue_dma source(%arg10 : memref<128x128xf32, #tpu.memory_space<vmem>>) target(%dma_start3A_418 : memref<128x128xf32, #tpu.memory_space<hbm>>) target_semaphore(%arg20 : memref<!tpu.dma_semaphore, #tpu.memory_space<semaphore_mem>>)
    %add3A_419 = arith.constant 45 : i32
    %add3A_420 = arith.addi %mul3A_2, %add3A_419 : i32
    %mul3A_421 = arith.constant 128 : i32
    %mul3A_422 = arith.muli %add3A_420, %mul3A_421 : i32
    %dma_wait3A_423 = arith.constant 0 : i32
    %dma_wait3A_424 = tpu.memref_slice %arg4[%mul3A_422, %dma_wait3A_423] : memref<204800x128xf32, #tpu.memory_space<hbm>> -> memref<128x128xf32, #tpu.memory_space<hbm>>
    %dma_wait3A_425 = arith.constant 0 : i32
    %dma_wait3A_426 = tpu.memref_slice %arg4[%mul3A_422, %dma_wait3A_425] : memref<204800x128xf32, #tpu.memory_space<hbm>> -> memref<128x128xf32, #tpu.memory_space<hbm>>
    tpu.wait_dma2 semaphore(%arg16 : memref<!tpu.dma_semaphore, #tpu.memory_space<semaphore_mem>>) src(%arg6 : memref<128x128xf32, #tpu.memory_space<vmem>>) dst(%dma_wait3A_426 : memref<128x128xf32, #tpu.memory_space<hbm>>)
    %add3A_427 = arith.constant 46 : i32
    %add3A_428 = arith.addi %mul3A_2, %add3A_427 : i32
    %mul3A_429 = arith.constant 128 : i32
    %mul3A_430 = arith.muli %add3A_428, %mul3A_429 : i32
    %dma_wait3A_431 = arith.constant 0 : i32
    %dma_wait3A_432 = tpu.memref_slice %arg4[%mul3A_430, %dma_wait3A_431] : memref<204800x128xf32, #tpu.memory_space<hbm>> -> memref<128x128xf32, #tpu.memory_space<hbm>>
    %dma_wait3A_433 = arith.constant 0 : i32
    %dma_wait3A_434 = tpu.memref_slice %arg4[%mul3A_430, %dma_wait3A_433] : memref<204800x128xf32, #tpu.memory_space<hbm>> -> memref<128x128xf32, #tpu.memory_space<hbm>>
    tpu.wait_dma2 semaphore(%arg17 : memref<!tpu.dma_semaphore, #tpu.memory_space<semaphore_mem>>) src(%arg7 : memref<128x128xf32, #tpu.memory_space<vmem>>) dst(%dma_wait3A_434 : memref<128x128xf32, #tpu.memory_space<hbm>>)
    %add3A_435 = arith.constant 47 : i32
    %add3A_436 = arith.addi %mul3A_2, %add3A_435 : i32
    %mul3A_437 = arith.constant 128 : i32
    %mul3A_438 = arith.muli %add3A_436, %mul3A_437 : i32
    %dma_wait3A_439 = arith.constant 0 : i32
    %dma_wait3A_440 = tpu.memref_slice %arg4[%mul3A_438, %dma_wait3A_439] : memref<204800x128xf32, #tpu.memory_space<hbm>> -> memref<128x128xf32, #tpu.memory_space<hbm>>
    %dma_wait3A_441 = arith.constant 0 : i32
    %dma_wait3A_442 = tpu.memref_slice %arg4[%mul3A_438, %dma_wait3A_441] : memref<204800x128xf32, #tpu.memory_space<hbm>> -> memref<128x128xf32, #tpu.memory_space<hbm>>
    tpu.wait_dma2 semaphore(%arg18 : memref<!tpu.dma_semaphore, #tpu.memory_space<semaphore_mem>>) src(%arg8 : memref<128x128xf32, #tpu.memory_space<vmem>>) dst(%dma_wait3A_442 : memref<128x128xf32, #tpu.memory_space<hbm>>)
    %add3A_443 = arith.constant 48 : i32
    %add3A_444 = arith.addi %mul3A_2, %add3A_443 : i32
    %mul3A_445 = arith.constant 128 : i32
    %mul3A_446 = arith.muli %add3A_444, %mul3A_445 : i32
    %dma_wait3A_447 = arith.constant 0 : i32
    %dma_wait3A_448 = tpu.memref_slice %arg4[%mul3A_446, %dma_wait3A_447] : memref<204800x128xf32, #tpu.memory_space<hbm>> -> memref<128x128xf32, #tpu.memory_space<hbm>>
    %dma_wait3A_449 = arith.constant 0 : i32
    %dma_wait3A_450 = tpu.memref_slice %arg4[%mul3A_446, %dma_wait3A_449] : memref<204800x128xf32, #tpu.memory_space<hbm>> -> memref<128x128xf32, #tpu.memory_space<hbm>>
    tpu.wait_dma2 semaphore(%arg19 : memref<!tpu.dma_semaphore, #tpu.memory_space<semaphore_mem>>) src(%arg9 : memref<128x128xf32, #tpu.memory_space<vmem>>) dst(%dma_wait3A_450 : memref<128x128xf32, #tpu.memory_space<hbm>>)
    %add3A_451 = arith.constant 49 : i32
    %add3A_452 = arith.addi %mul3A_2, %add3A_451 : i32
    %mul3A_453 = arith.constant 128 : i32
    %mul3A_454 = arith.muli %add3A_452, %mul3A_453 : i32
    %dma_wait3A_455 = arith.constant 0 : i32
    %dma_wait3A_456 = tpu.memref_slice %arg4[%mul3A_454, %dma_wait3A_455] : memref<204800x128xf32, #tpu.memory_space<hbm>> -> memref<128x128xf32, #tpu.memory_space<hbm>>
    %dma_wait3A_457 = arith.constant 0 : i32
    %dma_wait3A_458 = tpu.memref_slice %arg4[%mul3A_454, %dma_wait3A_457] : memref<204800x128xf32, #tpu.memory_space<hbm>> -> memref<128x128xf32, #tpu.memory_space<hbm>>
    tpu.wait_dma2 semaphore(%arg20 : memref<!tpu.dma_semaphore, #tpu.memory_space<semaphore_mem>>) src(%arg10 : memref<128x128xf32, #tpu.memory_space<vmem>>) dst(%dma_wait3A_458 : memref<128x128xf32, #tpu.memory_space<hbm>>)
    return
  }
}

</mosaic_0001>

<sc_bundles>
// kernel: _run.3.cloned.1.call-start
scs
__scs_entry_jumppad:
0x0: {  	(pc) =	sbr.rel $0x88, $3  }
0x1: {  	(tag) =	ssettag $0x0;
	lr =	simm.s32 $0x1  }
0x2: {  	[smem:$0x3F9F] =	sst lr;
	_ =	strace $0xD0000000  }
0x3: {  	_ = 	snop  }
0x4: {  	_ = 	snop  }
0x5: {  	_ = 	snop  }
0x6: {  	_ = 	snop  }
0x7: {  	_ = 	snop  }
__scs_overlays_trampoline_lowered:
0x8: {  	[smem:$0x3FAE] =	sst s0  }
0x9: {  	[smem:$0x3FAF] =	sst s1  }
0xa: {  	[smem:$0x3FB0] =	sst s2  }
0xb: {  	[smem:$0x3FB1] =	sst s3  }
0xc: {  	[smem:$0x3FB2] =	sst s4  }
0xd: {  	[smem:$0x3FB3] =	sst s5  }
0xe: {  	[smem:$0x3FB4] =	sst s6  }
0xf: {  	[smem:$0x3FB5] =	sst s7  }
0x10: {  	[smem:$0x3FB6] =	sst s8  }
0x11: {  	[smem:$0x3FB7] =	sst s9;
	s0 =	simm.s32 @!p0 $0x0  }
0x12: {  	s1 =	sld [smem:$0x3F9D];
	s0 =	simm.s32 @p0 $0x1  }
0x13: {  	[smem:$0x3FB8] =	sst s0;
	s0 =	simm.s32 @!p1 $0x0  }
0x14: {  	s2 =	sld [smem:$0x3F9C];
	s0 =	simm.s32 @p1 $0x1  }
0x15: {  	[smem:$0x3FB9] =	sst s0;
	s0 =	simm.s32 @!p2 $0x0  }
0x16: {  	s3 =	sld [smem:$0x3FDB];
	s0 =	simm.s32 @p2 $0x1  }
0x17: {  	s4 =	simm.s32 $0x1BF5;
	[smem:$0x3FBB] =	sst s0  }
0x18: {  	s0 =	sld [smem:$0x3F9E];
	_ =	swait.ge [sflag:s4], $0x0  }
0x19: {  	s7 =	sld [smem:$0x3F9F]  }
0x1a: {  	s8 =	sadd.s32 $0xFFFFE003, lr  }
0x1b: {  	s9 =	sadd.s32 $0xFFFFFEF7, lr;
	s5 =	simm.s32 $0xFFFFFFFF;
	p2 =	slt.u32 s8, $0xFFFFF086  }
0x1c: {  	p1 =	slt.u32 s9, $0xF7A;
	s5 =	simm.s32 @!p2 $0x0  }
0x1d: {  	s5 =	simm.s32 @p1 $0x1;
	p0 =	seq.s32 s7, s2  }
0x1e: {  	s7 =	smul.u32 @!p0 $0xF7A, s2;
	p2 =	seq.s32 @!p0 s5, $0x0  }
0x1f: {  	s9 =	smul.u32 $0xF7A, s1;
	s8 =	simm.s32 @!p0 $0x1BF5;
	p2 =	por !p2, p0  }
0x20: {  	[sflag:s8] =	ssyncset.s32 @!p0 $0xFFFFF086;
	s6 =	sadd.s32 @!p0 s3, s7;
	s7 =	simm.s32 @!p0 $0x108  }
0x21: {  	s3 =	sadd.s32 s3, s9;
	s6 =	sadd.s32 @!p0 $0x88, s6;
	s7 =	simm.s32 @p2 $0x1082  }
0x22: {  	[simem:s7], [sflag:s8] =	dma.local @!p0 [hbm:s6], $0xF7A  }
0x23: {  	s9 =	sor.u32 $0xD0000000, s2;
	s6 =	simm.s32 $0x108;
	_ =	swait.ge @!p0 [sflag:s8], $0x0  }
0x24: {  	s3 =	sadd.s32 $0x88, s3;
	s6 =	simm.s32 @!p1 $0x1082;
	[sflag:s4] =	ssyncset.s32 $0xFFFFF086  }
0x25: {  	[simem:s6], [sflag:s4] =	dma.local [hbm:s3], $0xF7A  }
0x26: {  	[smem:$0x3F9F] =	sst s1;
	(tag) =	ssettag s2;
	_ =	strace s9  }
0x27: {  	s1 =	sld [smem:$0x3FAF]  }
0x28: {  	s2 =	sld [smem:$0x3FB0]  }
0x29: {  	s4 =	sld [smem:$0x3FB2]  }
0x2a: {  	p0 =	seq.s32 s5, $0x0;
	s5 =	sld [smem:$0x3FB3]  }
0x2b: {  	s6 =	sld [smem:$0x3FB4]  }
0x2c: {  	s7 =	sld [smem:$0x3FB5]  }
0x2d: {  	s3 =	simm.s32 $0x108;
	s8 =	sld [smem:$0x3FB6]  }
0x2e: {  	s3 =	simm.s32 @!p0 $0x1082;
	s9 =	sld [smem:$0x3FB7]  }
0x2f: {  	lr =	sadd.s32 s0, s3;
	s0 =	sld [smem:$0x3FAE]  }
0x30: {  	s3 =	sld [smem:$0x3FB1]  }
0x31: {  	[smem:$0x3FBA] =	sst s10  }
0x32: {  	s10 =	sld [smem:$0x3FB8];
	_ =	sdelay $0x3  }
0x33: {  	p0 =	seq.s32 s10, $0x1;
	s10 =	sld [smem:$0x3FBA];
	_ =	sdelay $0x3  }
0x34: {  	[smem:$0x3FBA] =	sst s10  }
0x35: {  	s10 =	sld [smem:$0x3FB9];
	_ =	sdelay $0x3  }
0x36: {  	p1 =	seq.s32 s10, $0x1;
	s10 =	sld [smem:$0x3FBA];
	_ =	sdelay $0x3  }
0x37: {  	[smem:$0x3FBA] =	sst s10  }
0x38: {  	s10 =	sld [smem:$0x3FBB]  }
0x39: {  	_ = 	snop;
	(pc) =	sbr.ind lr, $3  }
0x3a: {  	_ = 	snop  }
0x3b: {  	_ = 	snop  }
0x3c: {  	p2 =	seq.s32 s10, $0x1;
	s10 =	sld [smem:$0x3FBA]  }
0x3d: {  	_ =	shalt  }
0x3e: {  	_ =	shalt  }
0x3f: {  	_ =	shalt  }
0x40: {  	_ =	shalt  }
0x41: {  	_ =	shalt  }
0x42: {  	_ =	shalt  }
0x43: {  	_ =	shalt  }
0x44: {  	_ =	shalt  }
0x45: {  	_ =	shalt  }
0x46: {  	_ =	shalt  }
0x47: {  	_ =	shalt  }
0x48: {  	_ =	shalt  }
0x49: {  	_ =	shalt  }
0x4a: {  	_ =	shalt  }
0x4b: {  	_ =	shalt  }
0x4c: {  	_ =	shalt  }
0x4d: {  	_ =	shalt  }
0x4e: {  	_ =	shalt  }
0x4f: {  	_ =	shalt  }
0x50: {  	_ =	shalt  }
0x51: {  	_ =	shalt  }
0x52: {  	_ =	shalt  }
0x53: {  	_ =	shalt  }
0x54: {  	_ =	shalt  }
0x55: {  	_ =	shalt  }
0x56: {  	_ =	shalt  }
0x57: {  	_ =	shalt  }
0x58: {  	_ =	shalt  }
0x59: {  	_ =	shalt  }
0x5a: {  	_ =	shalt  }
0x5b: {  	_ =	shalt  }
0x5c: {  	_ =	shalt  }
0x5d: {  	_ =	shalt  }
0x5e: {  	_ =	shalt  }
0x5f: {  	_ =	shalt  }
0x60: {  	_ =	shalt  }
0x61: {  	_ =	shalt  }
0x62: {  	_ =	shalt  }
0x63: {  	_ =	shalt  }
0x64: {  	_ =	shalt  }
0x65: {  	_ =	shalt  }
0x66: {  	_ =	shalt  }
0x67: {  	_ =	shalt  }
0x68: {  	_ =	shalt  }
0x69: {  	_ =	shalt  }
0x6a: {  	_ =	shalt  }
0x6b: {  	_ =	shalt  }
0x6c: {  	_ =	shalt  }
0x6d: {  	_ =	shalt  }
0x6e: {  	_ =	shalt  }
0x6f: {  	_ =	shalt  }
0x70: {  	_ =	shalt  }
0x71: {  	_ =	shalt  }
0x72: {  	_ =	shalt  }
0x73: {  	_ =	shalt  }
0x74: {  	_ =	shalt  }
0x75: {  	_ =	shalt  }
0x76: {  	_ =	shalt  }
0x77: {  	_ =	shalt  }
0x78: {  	_ =	shalt  }
0x79: {  	_ =	shalt  }
0x7a: {  	_ =	shalt  }
0x7b: {  	_ =	shalt  }
0x7c: {  	_ =	shalt  }
0x7d: {  	_ =	shalt  }
0x7e: {  	_ =	shalt  }
0x7f: {  	_ =	shalt  }
0x80: {  	_ =	shalt  }
0x81: {  	_ =	shalt  }
0x82: {  	_ =	shalt  }
0x83: {  	_ =	shalt  }
0x84: {  	_ =	shalt  }
0x85: {  	_ =	shalt  }
0x86: {  	_ =	shalt  }
0x87: {  	_ =	shalt  }
.Lfunc_end0:
.L_simem_size_0:
called_computation_lowered:
.L_overlay_start_0:
0x88: {  	s2 =	sld [smem:$0x3FD9]  }
0x89: {  	s3 =	sld [smem:$0x3FFE];
	_ =	sdelay $0x1  }
0x8a: {  	s1 =	srdreg.scid  }
0x8b: {  	s0 =	sand.u32 $0x1, s1  }
0x8c: {  	s18 =	sshll.u32 s0, $0xA;
	s2 =	sadd.s32 s3, s2  }
0x8d: {  	s2 =	sadd.s32 s2, s18  }
0x8e: {  	[smem:$0x3FC6] =	sst s2  }
0x8f: {  	_ = 	snop  }
0x90: {  	s2 =	sld [smem:$0x3FC9]  }
0x91: {  	s19 =	sld [smem:$0x3FC8]  }
0x92: {  	s4 =	sld [smem:$0x3FD0];
	(tm) =	ssettm $0x1  }
0x93: {  	s5 =	sld [smem:$0x3FFB];
	_ =	sdelay $0x3  }
0x94: {  	_ =	strace s5  }
0x95: {  	s5 =	sld [smem:$0x3FFC];
	_ =	sdelay $0x3  }
0x96: {  	_ =	strace s5  }
0x97: {  	s5 =	sld [smem:$0x3FFD];
	_ =	sdelay $0x3  }
0x98: {  	_ =	strace s5  }
0x99: {  	_ =	strace $0x8FFFFFFF  }
0x9a: {  	s20 =	sld [smem:$0x3FDB];
	_ =	sdelay $0x1  }
0x9b: {  	s6 =	simm.s32 $_scs_section_size  }
0x9c: {  	s7 =	simm.s32 $_size__tile_overlayer_lowered;
	s8 =	simm.s32 $_tile_overlayer_lowered  }
0x9d: {  	s23 =	simm.s32 $0x1BFF;
	s22 =	sshll.u32 s8, $0x1;
	s5 =	sadd.s32 s6, s20  }
0x9e: {  	s9 =	simm.s32 $0x0;
	s21 =	sshll.u32 s7, $0x1;
	s7 =	sadd.s32 s22, s5  }
0x9f: {  	[timem:s9], [sflag:s23] =	dma.local [hbm:s7], s21  }
0xa0: {  	_ =	swait.ge [sflag:s23], s21  }
0xa1: {  	s6 =	ssub.s32 $0x0, s21;
	[sflag:s23] =	ssyncset.done $0x0  }
0xa2: {  	[sflag:s23] =	ssyncadd.s32 s6;
	_ =	sdelay $0x1  }
0xa3: {  	s24 =	simm.s32 $0x1B8B  }
0xa4: {  	_ =	swait.ge [sflag:s24], $0x1  }
0xa5: {  	[sflag:s24] =	ssyncset.done $0x0  }
0xa6: {  	s25 =	simm.s32 $0x1B8E;
	[sflag:s24] =	ssyncadd.s32 $0xFFFFFFFF  }
0xa7: {  	s26 =	simm.s32 $execute0_lowered;
	[smem:$0x3FD2] =	sst s25  }
0xa8: {  	s6 =	sshll.u32 s26, $0x1;
	_ =	strace $0x80000046;
	[dreg:$0x1] =	wrdreg $0xFFFFFFFF  }
0xa9: {  	s28 =	simm.s32 $_size_execute0_lowered;
	s5 =	sadd.s32 s5, s6;
	[dreg:$0x0] =	wrdreg $0x0  }
0xaa: {  	s6 =	sshll.u32 s28, $0x1;
	[dreg:$0x2] =	wrdreg s5  }
0xab: {  	[dreg:$0x3] =	wrdreg s6  }
0xac: {  	[dreg:$0x4] =	wrdreg $0xC0  }
0xad: {  	_ =	task [dreg:s9], $0x5FFFF  }
0xae: {  	[dreg:$0x1] =	wrdreg $0xFFFFFFFF  }
0xaf: {  	[dreg:$0x0] =	wrdreg $0x60  }
0xb0: {  	[dreg:$0x2] =	wrdreg s2  }
0xb1: {  	[dreg:$0x3] =	wrdreg s19  }
0xb2: {  	[dreg:$0x4] =	wrdreg s4  }
0xb3: {  	[dreg:$0x5] =	wrdreg $0x9  }
0xb4: {  	_ =	task.clear_ibuf [dreg:s9], $0x6FFFF;
	_ =	strace $0x90000046  }
0xb5: {  	s29 =	simm.s32 $0x9;
	_ =	strace $0x80000048  }
0xb6: {  	_ =	swait.ge [sflag:s29], $0x1  }
0xb7: {  	[sflag:s29] =	ssyncadd.s32 $0xFFFFFFFF  }
0xb8: {  	_ =	strace $0x90000048  }
0xb9: {  	_ =	sfence  }
0xba: {  	s30 =	sld [smem:$0x0];
	_ =	sdelay $0x2  }
0xbb: {  	s31 =	sshll.u32 s1, $0xD;
	s1 =	sshrl.u32 s1, $0x2  }
0xbc: {  	s3 =	sand.u32 $0x4000, s31;
	s1 =	sadd.s32 s1, s30  }
0xbd: {  	s0 =	sor.u32 s3, s0;
	s1 =	sshll.u32 s1, $0x11  }
0xbe: {  	s0 =	sor.u32 s1, s0  }
0xbf: {  	s0 =	sadd.s32 $0x8F2B, s0  }
0xc0: {  	[sflag:s0] =	ssyncadd.remote.s32 $0x1  }
0xc1: {  	_ =	sfence.sel $0xFFFF  }
0xc2: {  	[dreg:$0x0] =	wrdreg $0xFFFFFFFF;
	(pc) =	sbr.abs _section_cstart, $3  }
0xc3: {  	[dreg:$0x1] =	wrdreg $0xFFFFFFFF  }
0xc4: {  	_ =	task.clear_ibuf [dreg:s9], $0x2FFFF;
	_ =	strace $0x9FFFFFFF  }
0xc5: {  	(tm) =	ssettm $0x7FFFFFFF  }
tec
execute0_lowered:
.L_overlay_start_1:
0x0: {  	(tag) =	ssettag $0x1  }
0x1: {  	s0 =	rddreg [dreg:$0x0]  }
0x2: {  	s2 =	rddreg [dreg:$0x1];
	s1 =	srdreg.scid  }
0x3: {  	s10 =	stileid.u32;
	s4 =	rddreg [dreg:$0x2]  }
0x4: {  	s3 =	simm.s32 $0x0;
	s28 =	simm.s32 $0x11C00;
	s29 =	simm.s32 $0x1  }
0x5: {  	s30 =	simm.s32 $0x6;
	s31 =	simm.s32 $0x2;
	s21 =	smul.u32 $0x64, s10  }
0x6: {  	s1 =	sand.u32 $0x1, s1;
	s5 =	sshll.u32 s10, $0x1;
	s24 =	smul.u32 $0x32000, s10  }
0x7: {  	[smem:$0x7FF] =	sst s3;
	s23 =	sshll.u32 s10, $0x2;
	s18 =	smul.u32 $0x32, s1  }
0x8: {  	s5 =	sor.u32 s1, s5;
	s7 =	ssub.s32 $0x2, s1;
	s1 =	smul.u32 $0x19000, s1  }
0x9: {  	s10 =	simm.s32 $0x0;
	s8 =	smul.u32 $0x320, s5;
	s9 =	sshrl.u32 s7, $0x1  }
0xa: {  	_ =	strace $0x80000047;
	s6 =	smul.u32 $0x32, s5;
	s7 =	ssub.s32 s7, s9  }
0xb: {  	s5 =	smul.u32 $0xC8000, s5;
	s8 =	sand.u32 $0x7F80, s8;
	s7 =	smax.u32 s7, $0x1  }
0xc: {  	s6 =	sand.u32 $0x6, s6;
	s0 =	sadd.s32 s0, s8;
	[dreg:$0xf] =	wrdreg s7  }
0xd: {  	s26 =	sadd.s32 s24, s4;
	s6 =	sshll.u32 s6, $0x7;
	[dreg:$0x5] =	wrdreg s0  }
0xe: {  	s24 =	simm.s32 $0x5C00;
	s12 =	sor.u32 $0x80, s6;
	[dreg:$0x4] =	wrdreg s6  }
0xf: {  	s9 =	simm.s32 $0xA;
	s14 =	sadd.s32 $0x100, s6;
	[dreg:$0x6] =	wrdreg s12  }
0x10: {  	s13 =	sshrl.u32 s5, $0x3;
	s15 =	sadd.s32 $0x180, s6;
	[dreg:$0x7] =	wrdreg s14  }
0x11: {  	s0 =	sadd.s32 s4, s13;
	s16 =	sadd.s32 $0x200, s6;
	[dreg:$0x8] =	wrdreg s15  }
0x12: {  	s5 =	sadd.s32 s18, s21;
	[dreg:$0x9] =	wrdreg s16;
	s17 =	sadd.s32 $0x16800, s0  }
0x13: {  	s5 =	sshll.u32 s5, $0xB;
	s19 =	sadd.s32 $0x17000, s0;
	[dreg:$0xa] =	wrdreg s17  }
0x14: {  	s7 =	simm.s32 $0x9;
	s20 =	sadd.s32 $0x17800, s0;
	[dreg:$0xb] =	wrdreg s19  }
0x15: {  	s8 =	simm.s32 $0x5;
	s22 =	sadd.s32 $0x18000, s0;
	[dreg:$0xc] =	wrdreg s20  }
0x16: {  	s5 =	sadd.s32 s5, s4;
	s0 =	sadd.s32 $0x18800, s0;
	[dreg:$0xd] =	wrdreg s22  }
0x17: {  	s6 =	simm.s32 $0x4;
	s25 =	sadd.s32 $0x2000, s5;
	[dreg:$0xe] =	wrdreg s0  }
0x18: {  	s0 =	ssub.s32 s18, s23;
	[dreg:$0x10] =	wrdreg s25;
	s18 =	sadd.s32 $0x1800, s5  }
0x19: {  	s19 =	sadd.s32 $0x800, s5;
	s20 =	sadd.s32 s1, s26;
	s22 =	simm.s32 $0x80  }
0x1a: {  	s23 =	simm.s32 $0x1C00;
	s25 =	simm.s32 $0x9C00;
	s0 =	sshll.u32 s0, $0x7  }
0x1b: {  	s26 =	simm.s32 $0xDC00;
	s1 =	simm.s32 $0x7;
	s0 =	sand.u32 $0x300, s0  }
0x1c: {  	v0 =	vimm.s32 $0xFFF88000;
	s5 =	simm.s32 $0x8;
	s21 =	sor.u32 $0x480, s0;
	s0 =	simm.s32 $0x3  }
.LBB2_1:
0x1d: {  	s4 =	rddreg [dreg:$0x5];
	s17 =	simm.s32 $0xB  }
0x1e: {  	[tilespmem:s3], [sflag:$0xB] =	stream.linear.gather [hbm4b:s4+s3], $0x1C00, $0x38;
	[tilespmem:$0x15C00] =	vst v63  }
0x1f: {  	_ =	swait.ge [sflag:s17], $0x1C00  }
0x20: {  	[sflag:s17] =	ssyncset.done $0x0  }
0x21: {  	s4 =	simm.s32 $0x0;
	[sflag:s17] =	ssyncadd.s32 $0xFFFFE400  }
0x22: {  	v7 =	vld [tilespmem:s4+$0x0]  }
0x23: {  	v6 =	vld [tilespmem:s4+$0x10]  }
0x24: {  	v5 =	vld [tilespmem:s4+$0x20]  }
0x25: {  	v4 =	vld [tilespmem:s4+$0x30]  }
0x26: {  	v3 =	vld [tilespmem:s4+$0x40]  }
0x27: {  	v2 =	vld [tilespmem:s4+$0x50];
	vm0 =	vlt.s32 v7, $0x78000  }
0x28: {  	s11 =	simm.s32 $0x200;
	v1 =	vld [tilespmem:s4+$0x60];
	v8 =	vsel vm0, $0x0, v0;
	vm0 =	vlt.s32 v6, $0x78000  }
.LBB2_2:
0x29: {  	p0 =	sne.s32 s11, $0x6E00;
	v7 =	vadd.s32 v7, v8;
	v8 =	vsel vm0, $0x0, v0;
	vm0 =	vlt.s32 v5, $0x78000;
	v9 =	vld [tilespmem:s4+$0x70]  }
0x2a: {  	s12 =	sshra.s32 s11, $0x2;
	[tilespmem:s4+$0x0] =	vst v7;
	v6 =	vadd.s32 v6, v8;
	v8 =	vsel vm0, $0x0, v0;
	vm0 =	vlt.s32 v4, $0x78000  }
0x2b: {  	v7 =	vld [tilespmem:s12+$0x0];
	[tilespmem:s4+$0x10] =	vst v6;
	v5 =	vadd.s32 v5, v8;
	v8 =	vsel vm0, $0x0, v0;
	vm0 =	vlt.s32 v3, $0x78000  }
0x2c: {  	v6 =	vld [tilespmem:s12+$0x10];
	[tilespmem:s4+$0x20] =	vst v5;
	v4 =	vadd.s32 v4, v8;
	v8 =	vsel vm0, $0x0, v0;
	vm0 =	vlt.s32 v2, $0x78000  }
.Ltmp0:
0x2d: {  	v5 =	vld [tilespmem:s12+$0x20];
	[tilespmem:s4+$0x30] =	vst v4;
	v3 =	vadd.s32 v3, v8;
	v8 =	vsel vm0, $0x0, v0;
	vm0 =	vlt.s32 v1, $0x78000;
	(pc) =	sbr.rel @p0 .LBB2_2-.Ltmp0, $4  }
0x2e: {  	v4 =	vld [tilespmem:s12+$0x30];
	[tilespmem:s4+$0x40] =	vst v3;
	v2 =	vadd.s32 v2, v8;
	v8 =	vsel vm0, $0x0, v0;
	vm0 =	vlt.s32 v9, $0x78000  }
0x2f: {  	v3 =	vld [tilespmem:s12+$0x40];
	[tilespmem:s4+$0x50] =	vst v2;
	v1 =	vadd.s32 v1, v8;
	v8 =	vsel vm0, $0x0, v0  }
0x30: {  	vm0 =	vlt.s32 v7, $0x78000;
	v2 =	vld [tilespmem:s12+$0x50];
	[tilespmem:s4+$0x60] =	vst v1;
	v9 =	vadd.s32 v9, v8  }
0x31: {  	s11 =	sadd.s32 $0x200, s11;
	v8 =	vsel vm0, $0x0, v0;
	vm0 =	vlt.s32 v6, $0x78000;
	v1 =	vld [tilespmem:s12+$0x60];
	[tilespmem:s4+$0x70] =	vst v9;
	s4 =	smov.u32 s12  }
0x32: {  	v7 =	vadd.s32 v7, v8;
	v57 =	vsel vm0, $0x0, v0;
	vm10 =	vlt.s32 v5, $0x78000;
	v9 =	vld [tilespmem:s4+$0x70]  }
0x33: {  	[tilespmem:s4+$0x0] =	vst v7;
	v6 =	vadd.s32 v6, v57;
	v58 =	vsel vm10, $0x0, v0;
	vm11 =	vlt.s32 v4, $0x78000  }
0x34: {  	[tilespmem:s4+$0x10] =	vst v6;
	v59 =	vadd.s32 v5, v58;
	v60 =	vsel vm11, $0x0, v0;
	vm12 =	vlt.s32 v3, $0x78000  }
0x35: {  	[tilespmem:s4+$0x20] =	vst v59;
	v61 =	vadd.s32 v4, v60;
	v62 =	vsel vm12, $0x0, v0;
	vm13 =	vlt.s32 v2, $0x78000  }
0x36: {  	[tilespmem:s4+$0x30] =	vst v61;
	v3 =	vadd.s32 v3, v62;
	v63 =	vsel vm13, $0x0, v0;
	vm14 =	vlt.s32 v1, $0x78000  }
0x37: {  	[tilespmem:s4+$0x40] =	vst v3;
	v2 =	vadd.s32 v2, v63;
	v3 =	vsel vm14, $0x0, v0;
	vm15 =	vlt.s32 v9, $0x78000  }
0x38: {  	[tilespmem:s4+$0x50] =	vst v2;
	v1 =	vadd.s32 v1, v3;
	v2 =	vsel vm15, $0x0, v0  }
0x39: {  	[tilespmem:s4+$0x60] =	vst v1;
	v1 =	vadd.s32 v9, v2  }
0x3a: {  	s14 =	rddreg [dreg:$0x4];
	[tilespmem:s4+$0x70] =	vst v1  }
0x3b: {  	[tilespmem:s23], [sflag:$0x1] =	stream.indirect.gather [hbm4b:s2+s22], $0x80, s14, s22, $0xb8;
	[tilespmem:$0x15C00] =	vst v63  }
0x3c: {  	s15 =	rddreg [dreg:$0x6]  }
0x3d: {  	[tilespmem:s24], [sflag:$0x2] =	stream.indirect.gather [hbm4b:s2+s22], $0x80, s15, s22, $0xb8;
	[tilespmem:$0x15C00] =	vst v63  }
0x3e: {  	s16 =	rddreg [dreg:$0x7]  }
0x3f: {  	[tilespmem:s25], [sflag:$0x3] =	stream.indirect.gather [hbm4b:s2+s22], $0x80, s16, s22, $0xb8;
	[tilespmem:$0x15C00] =	vst v63  }
0x40: {  	s17 =	rddreg [dreg:$0x8]  }
0x41: {  	[tilespmem:s26], [sflag:$0x4] =	stream.indirect.gather [hbm4b:s2+s22], $0x80, s17, s22, $0xb8;
	[tilespmem:$0x15C00] =	vst v63  }
0x42: {  	s11 =	rddreg [dreg:$0x9]  }
0x43: {  	[tilespmem:s28], [sflag:$0x5] =	stream.indirect.gather [hbm4b:s2+s22], $0x80, s11, s22, $0xb8;
	[tilespmem:$0x15C00] =	vst v63  }
0x44: {  	_ =	swait.ge [sflag:s29], $0x4000  }
0x45: {  	[sflag:s29] =	ssyncset.done $0x0  }
0x46: {  	[sflag:s29] =	ssyncadd.s32 $0xFFFFC000  }
0x47: {  	[hbm4b:s20+s3] =	stream.linear.scatter [tilespmem:s23], [sflag:$0x6], $0x4000, $0x38;
	[tilespmem:$0x15C00] =	vst v63  }
0x48: {  	_ =	swait.ge [sflag:s30], $0x4000  }
0x49: {  	[sflag:s30] =	ssyncset.done $0x0  }
0x4a: {  	s12 =	sadd.s32 $0xFFFFFE00, s21;
	[sflag:s30] =	ssyncadd.s32 $0xFFFFC000  }
0x4b: {  	[tilespmem:s23], [sflag:$0x1] =	stream.indirect.gather [hbm4b:s2+s22], $0x80, s12, s22, $0xb8;
	[tilespmem:$0x15C00] =	vst v63  }
0x4c: {  	_ =	swait.ge [sflag:s31], $0x4000  }
0x4d: {  	[sflag:s31] =	ssyncset.done $0x0  }
0x4e: {  	[sflag:s31] =	ssyncadd.s32 $0xFFFFC000  }
0x4f: {  	[hbm4b:s19+s3] =	stream.linear.scatter [tilespmem:s24], [sflag:$0x7], $0x4000, $0x38;
	[tilespmem:$0x15C00] =	vst v63  }
0x50: {  	_ =	swait.ge [sflag:s1], $0x4000  }
0x51: {  	[sflag:s1] =	ssyncset.done $0x0  }
0x52: {  	s13 =	sadd.s32 $0xFFFFFE80, s21;
	[sflag:s1] =	ssyncadd.s32 $0xFFFFC000  }
0x53: {  	[tilespmem:s24], [sflag:$0x2] =	stream.indirect.gather [hbm4b:s2+s22], $0x80, s13, s22, $0xb8;
	[tilespmem:$0x15C00] =	vst v63  }
0x54: {  	_ =	swait.ge [sflag:s0], $0x4000  }
0x55: {  	[sflag:s0] =	ssyncset.done $0x0  }
0x56: {  	s14 =	sadd.s32 $0xFFFFF800, s18;
	[sflag:s0] =	ssyncadd.s32 $0xFFFFC000  }
0x57: {  	[hbm4b:s14+s3] =	stream.linear.scatter [tilespmem:s25], [sflag:$0x8], $0x4000, $0x38;
	[tilespmem:$0x15C00] =	vst v63  }
0x58: {  	_ =	swait.ge [sflag:s5], $0x4000  }
0x59: {  	[sflag:s5] =	ssyncset.done $0x0  }
0x5a: {  	s15 =	sadd.s32 $0xFFFFFF00, s21;
	[sflag:s5] =	ssyncadd.s32 $0xFFFFC000  }
0x5b: {  	[tilespmem:s25], [sflag:$0x3] =	stream.indirect.gather [hbm4b:s2+s22], $0x80, s15, s22, $0xb8;
	[tilespmem:$0x15C00] =	vst v63  }
0x5c: {  	_ =	swait.ge [sflag:s6], $0x4000  }
0x5d: {  	[sflag:s6] =	ssyncset.done $0x0  }
0x5e: {  	[sflag:s6] =	ssyncadd.s32 $0xFFFFC000  }
0x5f: {  	[hbm4b:s18+s3] =	stream.linear.scatter [tilespmem:s26], [sflag:$0x9], $0x4000, $0x38;
	[tilespmem:$0x15C00] =	vst v63  }
0x60: {  	_ =	swait.ge [sflag:s7], $0x4000  }
0x61: {  	[sflag:s7] =	ssyncset.done $0x0  }
0x62: {  	s16 =	sadd.s32 $0xFFFFFF80, s21;
	[sflag:s7] =	ssyncadd.s32 $0xFFFFC000  }
0x63: {  	[tilespmem:s26], [sflag:$0x4] =	stream.indirect.gather [hbm4b:s2+s22], $0x80, s16, s22, $0xb8;
	[tilespmem:$0x15C00] =	vst v63  }
0x64: {  	_ =	swait.ge [sflag:s8], $0x4000  }
0x65: {  	[sflag:s8] =	ssyncset.done $0x0  }
0x66: {  	s11 =	simm.s32 $0x5;
	s17 =	rddreg [dreg:$0x10];
	[sflag:s8] =	ssyncadd.s32 $0xFFFFC000  }
0x67: {  	[hbm4b:s17+s3] =	stream.linear.scatter [tilespmem:s28], [sflag:$0xA], $0x4000, $0x38;
	[tilespmem:$0x15C00] =	vst v63  }
0x68: {  	s12 =	sadd.s32 $0x2800, s20;
	s13 =	sadd.s32 $0x2800, s18;
	_ =	swait.ge [sflag:s9], $0x4000  }
0x69: {  	s14 =	sadd.s32 $0x2800, s19;
	s15 =	sadd.s32 $0x280, s21;
	[sflag:s9] =	ssyncset.done $0x0  }
0x6a: {  	s16 =	smov.u32 s21;
	s4 =	sadd.s32 $0x2800, s17;
	[sflag:s9] =	ssyncadd.s32 $0xFFFFC000  }
.LBB2_4:
0x6b: {  	[tilespmem:s28], [sflag:$0x5] =	stream.indirect.gather [hbm4b:s2+s22], $0x80, s16, s22, $0xb8;
	[tilespmem:$0x15C00] =	vst v63  }
0x6c: {  	p0 =	sne.s32 s11, $0x28;
	s11 =	sadd.s32 $0x5, s11;
	_ =	swait.ge [sflag:s29], $0x4000  }
0x6d: {  	s16 =	smov.u32 s15;
	[sflag:s29] =	ssyncset.done $0x0  }
0x6e: {  	[sflag:s29] =	ssyncadd.s32 $0xFFFFC000  }
0x6f: {  	[hbm4b:s12+s3] =	stream.linear.scatter [tilespmem:s23], [sflag:$0x6], $0x4000, $0x38;
	[tilespmem:$0x15C00] =	vst v63  }
0x70: {  	_ =	swait.ge [sflag:s30], $0x4000  }
0x71: {  	[sflag:s30] =	ssyncset.done $0x0  }
0x72: {  	s17 =	sadd.s32 $0xFFFFFE00, s15;
	[sflag:s30] =	ssyncadd.s32 $0xFFFFC000  }
0x73: {  	[tilespmem:s23], [sflag:$0x1] =	stream.indirect.gather [hbm4b:s2+s22], $0x80, s17, s22, $0xb8;
	[tilespmem:$0x15C00] =	vst v63  }
0x74: {  	_ =	swait.ge [sflag:s31], $0x4000  }
0x75: {  	[sflag:s31] =	ssyncset.done $0x0  }
0x76: {  	[sflag:s31] =	ssyncadd.s32 $0xFFFFC000  }
0x77: {  	[hbm4b:s14+s3] =	stream.linear.scatter [tilespmem:s24], [sflag:$0x7], $0x4000, $0x38;
	[tilespmem:$0x15C00] =	vst v63  }
0x78: {  	_ =	swait.ge [sflag:s1], $0x4000  }
0x79: {  	[sflag:s1] =	ssyncset.done $0x0  }
0x7a: {  	s17 =	sadd.s32 $0xFFFFFE80, s15;
	[sflag:s1] =	ssyncadd.s32 $0xFFFFC000  }
0x7b: {  	[tilespmem:s24], [sflag:$0x2] =	stream.indirect.gather [hbm4b:s2+s22], $0x80, s17, s22, $0xb8;
	[tilespmem:$0x15C00] =	vst v63  }
0x7c: {  	_ =	swait.ge [sflag:s0], $0x4000  }
0x7d: {  	[sflag:s0] =	ssyncset.done $0x0  }
0x7e: {  	s17 =	sadd.s32 $0xFFFFF800, s13;
	[sflag:s0] =	ssyncadd.s32 $0xFFFFC000  }
0x7f: {  	[hbm4b:s17+s3] =	stream.linear.scatter [tilespmem:s25], [sflag:$0x8], $0x4000, $0x38;
	[tilespmem:$0x15C00] =	vst v63  }
0x80: {  	_ =	swait.ge [sflag:s5], $0x4000  }
0x81: {  	[sflag:s5] =	ssyncset.done $0x0  }
0x82: {  	s17 =	sadd.s32 $0xFFFFFF00, s15;
	[sflag:s5] =	ssyncadd.s32 $0xFFFFC000  }
0x83: {  	[tilespmem:s25], [sflag:$0x3] =	stream.indirect.gather [hbm4b:s2+s22], $0x80, s17, s22, $0xb8;
	[tilespmem:$0x15C00] =	vst v63  }
0x84: {  	_ =	swait.ge [sflag:s6], $0x4000  }
0x85: {  	[sflag:s6] =	ssyncset.done $0x0  }
0x86: {  	[sflag:s6] =	ssyncadd.s32 $0xFFFFC000  }
0x87: {  	[hbm4b:s13+s3] =	stream.linear.scatter [tilespmem:s26], [sflag:$0x9], $0x4000, $0x38;
	[tilespmem:$0x15C00] =	vst v63  }
0x88: {  	_ =	swait.ge [sflag:s7], $0x4000  }
0x89: {  	[sflag:s7] =	ssyncset.done $0x0  }
0x8a: {  	s17 =	sadd.s32 $0xFFFFFF80, s15;
	[sflag:s7] =	ssyncadd.s32 $0xFFFFC000  }
0x8b: {  	[tilespmem:s26], [sflag:$0x4] =	stream.indirect.gather [hbm4b:s2+s22], $0x80, s17, s22, $0xb8;
	[tilespmem:$0x15C00] =	vst v63  }
0x8c: {  	_ =	swait.ge [sflag:s8], $0x4000  }
0x8d: {  	[sflag:s8] =	ssyncset.done $0x0  }
.Ltmp1:
0x8e: {  	[sflag:s8] =	ssyncadd.s32 $0xFFFFC000;
	(pc) =	sbr.rel @p0 .LBB2_4-.Ltmp1, $4  }
0x8f: {  	[hbm4b:s4+s3] =	stream.linear.scatter [tilespmem:s28], [sflag:$0xA], $0x4000, $0x38;
	[tilespmem:$0x15C00] =	vst v63  }
0x90: {  	s12 =	sadd.s32 $0x2800, s12;
	_ =	swait.ge [sflag:s9], $0x4000  }
0x91: {  	s14 =	sadd.s32 $0x2800, s14;
	s13 =	sadd.s32 $0x2800, s13;
	[sflag:s9] =	ssyncset.done $0x0  }
0x92: {  	s15 =	sadd.s32 $0x280, s15;
	s4 =	sadd.s32 $0x2800, s4;
	[sflag:s9] =	ssyncadd.s32 $0xFFFFC000  }
0x93: {  	[tilespmem:s28], [sflag:$0x5] =	stream.indirect.gather [hbm4b:s2+s22], $0x80, s16, s22, $0xb8;
	[tilespmem:$0x15C00] =	vst v63  }
0x94: {  	_ =	swait.ge [sflag:s29], $0x4000  }
0x95: {  	[sflag:s29] =	ssyncset.done $0x0  }
0x96: {  	s4 =	rddreg [dreg:$0xa];
	[sflag:s29] =	ssyncadd.s32 $0xFFFFC000  }
0x97: {  	[hbm4b:s4+s3] =	stream.linear.scatter [tilespmem:s23], [sflag:$0x6], $0x4000, $0x38;
	[tilespmem:$0x15C00] =	vst v63  }
0x98: {  	_ =	swait.ge [sflag:s31], $0x4000  }
0x99: {  	[sflag:s31] =	ssyncset.done $0x0  }
0x9a: {  	s13 =	rddreg [dreg:$0xb];
	[sflag:s31] =	ssyncadd.s32 $0xFFFFC000  }
0x9b: {  	[hbm4b:s13+s3] =	stream.linear.scatter [tilespmem:s24], [sflag:$0x7], $0x4000, $0x38;
	[tilespmem:$0x15C00] =	vst v63  }
0x9c: {  	_ =	swait.ge [sflag:s0], $0x4000  }
0x9d: {  	[sflag:s0] =	ssyncset.done $0x0  }
0x9e: {  	s14 =	rddreg [dreg:$0xc];
	[sflag:s0] =	ssyncadd.s32 $0xFFFFC000  }
0x9f: {  	[hbm4b:s14+s3] =	stream.linear.scatter [tilespmem:s25], [sflag:$0x8], $0x4000, $0x38;
	[tilespmem:$0x15C00] =	vst v63  }
0xa0: {  	_ =	swait.ge [sflag:s6], $0x4000  }
0xa1: {  	[sflag:s6] =	ssyncset.done $0x0  }
0xa2: {  	s15 =	rddreg [dreg:$0xd];
	[sflag:s6] =	ssyncadd.s32 $0xFFFFC000  }
0xa3: {  	[hbm4b:s15+s3] =	stream.linear.scatter [tilespmem:s26], [sflag:$0x9], $0x4000, $0x38;
	[tilespmem:$0x15C00] =	vst v63  }
0xa4: {  	_ =	swait.ge [sflag:s8], $0x4000  }
0xa5: {  	[sflag:s8] =	ssyncset.done $0x0  }
0xa6: {  	s16 =	rddreg [dreg:$0xe];
	[sflag:s8] =	ssyncadd.s32 $0xFFFFC000  }
0xa7: {  	[hbm4b:s16+s3] =	stream.linear.scatter [tilespmem:s28], [sflag:$0xA], $0x4000, $0x38;
	[tilespmem:$0x15C00] =	vst v63  }
0xa8: {  	_ =	swait.ge [sflag:s30], $0x4000  }
0xa9: {  	[sflag:s30] =	ssyncset.done $0x0  }
0xaa: {  	[sflag:s30] =	ssyncadd.s32 $0xFFFFC000  }
0xab: {  	_ =	swait.ge [sflag:s1], $0x4000  }
0xac: {  	[sflag:s1] =	ssyncset.done $0x0  }
0xad: {  	[sflag:s1] =	ssyncadd.s32 $0xFFFFC000  }
0xae: {  	_ =	swait.ge [sflag:s5], $0x4000  }
0xaf: {  	[sflag:s5] =	ssyncset.done $0x0  }
0xb0: {  	[sflag:s5] =	ssyncadd.s32 $0xFFFFC000  }
0xb1: {  	_ =	swait.ge [sflag:s7], $0x4000  }
0xb2: {  	[sflag:s7] =	ssyncset.done $0x0  }
0xb3: {  	[sflag:s7] =	ssyncadd.s32 $0xFFFFC000  }
0xb4: {  	_ =	swait.ge [sflag:s9], $0x4000  }
0xb5: {  	s10 =	sadd.s32 $0x1, s10;
	s17 =	rddreg [dreg:$0xf]  }
0xb6: {  	p0 =	sne.s32 s10, s17  }
.Ltmp2:
0xb7: {  	_ = 	snop;
	(pc) =	sbr.rel @p0 .LBB2_1-.Ltmp2, $3  }
0xb8: {  	_ =	sdelay $0x1  }
0xb9: {  	[sflag:s9] =	ssyncset.done $0x0  }
0xba: {  	[sflag:s9] =	ssyncadd.s32 $0xFFFFC000  }
0xbb: {  	_ =	sfence.sel $0x180000  }
0xbc: {  	[bflag:$0x0] =	sbarrier.arrive $0xFFFF  }
0xbd: {  	_ =	strace $0x90000047  }
0xbe: {  	s0 =	stileid.u32;
	[bflag:$0x2] =	sbarrier.arrive $0xFFFF  }
0xbf: {  	p0 =	sne.s32 s0, $0x0;
	s0 =	rddreg [dreg:$0x3]  }
0xc0: {  	s0 =	sadd.s32 @!p0 $0x100000, s0  }
0xc1: {  	[sflag:s0] =	ssyncadd.tile.s32 @!p0 $0x1;
	_ =	shalt  }
.Lfunc_end2:
_tile_overlayer_lowered:
.L_overlay_start_2:
0xc2: {  	(tag) =	ssettag $0x2  }
0xc3: {  	s0 =	rddreg [dreg:$0x0];
	s2 =	stileid.u32  }
0xc4: {  	s1 =	rddreg [dreg:$0x1];
	p0 =	sne.s32 s2, $0x0  }
0xc5: {  	s3 =	rddreg [dreg:$0x2];
	[bflag:$0x3] =	sbarrier.arrive $0xFFFF;
	s2 =	simm.s32 @!p0 $0x1C0B  }
0xc6: {  	[timem:s3], [sflag:s2] =	dma.local @!p0 [hbm:s0], s1  }
0xc7: {  	s0 =	simm.s32 @!p0 $0xB  }
0xc8: {  	_ =	swait.ge @!p0 [sflag:s0], s1  }
0xc9: {  	s1 =	ssub.s32 @!p0 $0x0, s1;
	[sflag:s0] =	ssyncset.done @!p0 $0x0  }
0xca: {  	[sflag:s0] =	ssyncadd.s32 @!p0 s1  }
0xcb: {  	[bflag:$0x3] =	sbarrier.arrive $0xFFFF  }
0xcc: {  	_ =	shalt  }

</sc_bundles>
